<compile_context>
chip_gen: v7x
topology: tpu7x:2x2x1
jax: 0.10.2.dev20260603
libtpu: 0.0.44.dev20260713+nightly
codegen_flags: <defaults>
</compile_context>

<pallas_src>
import functools

import jax
import jax.numpy as jnp
from jax import lax
from jax.experimental import pallas as pl
from jax.experimental.pallas import tpu as pltpu
from jax.experimental.pallas import tpu_sc as plsc

_MU = 1024
_LANES = 16
_ROWS = 4


@functools.partial(jax.jit, static_argnames=("nw",))
def _bucketize_sc(x2d, boundaries, nw):
    nrows, ncols = x2d.shape
    groups = ncols // _LANES
    rows_per_w = nrows // nw
    nchunks = rows_per_w // _ROWS
    mesh = plsc.VectorSubcoreMesh(core_axis_name="c", subcore_axis_name="s")
    num_cores = mesh.num_cores

    @functools.partial(
        pl.kernel,
        out_type=jax.ShapeDtypeStruct((nrows, ncols), jnp.int32),
        mesh=mesh,
        compiler_params=pltpu.CompilerParams(needs_layout_passes=False),
        scratch_types=[
            pltpu.VMEM((_MU,), jnp.float32),
            pltpu.VMEM((_ROWS, ncols), jnp.float32),
            pltpu.VMEM((_ROWS, ncols), jnp.float32),
            pltpu.VMEM((_ROWS, ncols), jnp.int32),
            pltpu.VMEM((_ROWS, ncols), jnp.int32),
            pltpu.SemaphoreType.DMA,
            pltpu.SemaphoreType.DMA,
            pltpu.SemaphoreType.DMA,
            pltpu.SemaphoreType.DMA,
            pltpu.SemaphoreType.DMA,
        ],
    )
    def run(x_hbm, b_hbm, out_hbm, b_v, x_v0, x_v1, o_v0, o_v1,
            in0, in1, ou0, ou1, bsem):
        x_bufs = (x_v0, x_v1)
        o_bufs = (o_v0, o_v1)
        in_sems = (in0, in1)
        ou_sems = (ou0, ou1)
        wid = lax.axis_index("s") * num_cores + lax.axis_index("c")
        base = wid * rows_per_w

        pltpu.async_copy(x_hbm.at[pl.ds(base, _ROWS)], x_bufs[0], in_sems[0])
        pltpu.async_copy(b_hbm, b_v, bsem)
        pltpu.make_async_copy(b_hbm, b_v, bsem).wait()

        @pl.loop(0, nchunks, step=2)
        def _chunks(g0):
            for b in range(2):
                g = g0 + b
                xb = x_bufs[b]
                ob = o_bufs[b]
                @pl.when(g + 1 < nchunks)
                def _():
                    pltpu.async_copy(
                        x_hbm.at[pl.ds(base + (g + 1) * _ROWS, _ROWS)],
                        x_bufs[1 - b],
                        in_sems[1 - b],
                    )

                pltpu.make_async_copy(
                    x_hbm.at[pl.ds(base, _ROWS)], xb, in_sems[b]
                ).wait()

                @pl.when(g >= 2)
                def _():
                    pltpu.make_async_copy(
                        ob, out_hbm.at[pl.ds(base, _ROWS)], ou_sems[b]
                    ).wait()

                @plsc.parallel_loop(0, groups, 1, unroll=8)
                def _vecs(i):
                    for j in range(_ROWS):
                        xv = xb[j, pl.ds(i * _LANES, _LANES)]
                        t = xv * 511.5 + 512.0
                        t = jnp.minimum(jnp.maximum(t, 0.0), 1023.5)
                        c = t.astype(jnp.int32)
                        bc = plsc.load_gather(b_v, [c])
                        ob[j, pl.ds(i * _LANES, _LANES)] = jnp.where(
                            bc < xv, c + 1, c
                        )

                pltpu.async_copy(
                    ob, out_hbm.at[pl.ds(base + g * _ROWS, _ROWS)], ou_sems[b]
                )

        for b in range(2):
            pltpu.make_async_copy(
                o_bufs[b], out_hbm.at[pl.ds(base, _ROWS)], ou_sems[b]
            ).wait()

    return run(x2d, boundaries)


def kernel(x, boundaries):
    nw = 32
    return _bucketize_sc(x, boundaries, nw)

# --- scband reference (transcript-rebuilt; emitter-appended) ---
"""Pipeline reference for scband-tokenizer-37718402794084 (READ-ONLY COPY).

The authoritative reference and input builder live on the scoring server;
editing this copy changes nothing except your own understanding.
"""

import jax, jax.numpy as jnp
import numpy as np

MU = 1024

def setup_inputs(seed: int = 0) -> dict:
    key = jax.random.key(seed)
    x = jax.random.normal(key, (4096, 4096), dtype=jnp.float32)
    # buffer from __init__: boundaries = torch.linspace(-1, 1, mu)
    boundaries = jnp.linspace(-1.0, 1.0, MU, dtype=jnp.float32)
    return {"x": x, "boundaries": boundaries}

def reference(x, boundaries):
    # torch.bucketize(x, boundaries, right=False) satisfies
    # boundaries[i-1] < x <= boundaries[i], which is searchsorted side='left'.
    idx = jnp.searchsorted(boundaries, x, side='left')
    return idx

if __name__ == "__main__":
    import jax
    _d = setup_inputs()
    print(jax.jit(kernel)(*tuple(_d.values())))

</pallas_src>

<mosaic_0001>
#map = affine_map<(d0, d1) -> (0, 0)>
#map1 = affine_map<(d0, d1) -> (0)>
module attributes {stable_mosaic.version = 14 : i64} {
  func.func @run(%arg0: i32, %arg1: i32, %arg2: memref<4096x4096xf32, #tpu.memory_space<hbm>>, %arg3: memref<1024xf32, #tpu.memory_space<hbm>>, %arg4: memref<4096x4096xi32, #tpu.memory_space<hbm>>, %arg5: memref<1024xf32, #tpu.memory_space<vmem>>, %arg6: memref<4x4096xf32, #tpu.memory_space<vmem>>, %arg7: memref<4x4096xf32, #tpu.memory_space<vmem>>, %arg8: memref<4x4096xi32, #tpu.memory_space<vmem>>, %arg9: memref<4x4096xi32, #tpu.memory_space<vmem>>, %arg10: memref<!tpu.dma_semaphore, #tpu.memory_space<semaphore_mem>>, %arg11: memref<!tpu.dma_semaphore, #tpu.memory_space<semaphore_mem>>, %arg12: memref<!tpu.dma_semaphore, #tpu.memory_space<semaphore_mem>>, %arg13: memref<!tpu.dma_semaphore, #tpu.memory_space<semaphore_mem>>, %arg14: memref<!tpu.dma_semaphore, #tpu.memory_space<semaphore_mem>>) attributes {dimension_semantics = [#tpu.dimension_semantics<core_parallel>, #tpu.dimension_semantics<subcore_parallel>], iteration_bounds = array<i64: 2, 16>, scalar_prefetch = 0 : i64, scratch_operands = 10 : i64, tpu.core_type = #tpu.core_type<sc_vector_subcore>, window_params = [{transform_indices = #map}, {transform_indices = #map1}, {transform_indices = #map}]} {
    %mul3A = arith.constant 2 : i32
    %mul3A_0 = arith.muli %arg1, %mul3A : i32
    %add3A = arith.addi %mul3A_0, %arg0 : i32
    %mul3A_1 = arith.constant 128 : i32
    %mul3A_2 = arith.muli %add3A, %mul3A_1 : i32
    %dma_start3A = arith.constant 0 : i32
    %dma_start3A_3 = tpu.memref_slice %arg2[%mul3A_2, %dma_start3A] : memref<4096x4096xf32, #tpu.memory_space<hbm>> -> memref<4x4096xf32, #tpu.memory_space<hbm>>
    %dma_start3A_4 = arith.constant 0 : i32
    %dma_start3A_5 = tpu.memref_slice %arg2[%mul3A_2, %dma_start3A_4] : memref<4096x4096xf32, #tpu.memory_space<hbm>> -> memref<4x4096xf32, #tpu.memory_space<hbm>>
    tpu.enqueue_dma source(%dma_start3A_5 : memref<4x4096xf32, #tpu.memory_space<hbm>>) target(%arg6 : memref<4x4096xf32, #tpu.memory_space<vmem>>) target_semaphore(%arg10 : memref<!tpu.dma_semaphore, #tpu.memory_space<semaphore_mem>>)
    tpu.enqueue_dma source(%arg3 : memref<1024xf32, #tpu.memory_space<hbm>>) target(%arg5 : memref<1024xf32, #tpu.memory_space<vmem>>) target_semaphore(%arg14 : memref<!tpu.dma_semaphore, #tpu.memory_space<semaphore_mem>>)
    tpu.wait_dma2 semaphore(%arg14 : memref<!tpu.dma_semaphore, #tpu.memory_space<semaphore_mem>>) src(%arg3 : memref<1024xf32, #tpu.memory_space<hbm>>) dst(%arg5 : memref<1024xf32, #tpu.memory_space<vmem>>)
    %scan3A = arith.constant 0 : i32
    %scan3A_6 = arith.constant 16 : i32
    %scan3A_7 = arith.addi %scan3A, %scan3A_6 : i32
    %scan3A_8 = arith.constant 1 : i32
    scf.for %scan3A_17 = %scan3A to %scan3A_7 step %scan3A_8  : i32 {
      %mul3A_18 = arith.constant 2 : i32
      %mul3A_19 = arith.muli %scan3A_17, %mul3A_18 : i32
      %add3A_20 = arith.constant 0 : i32
      %add3A_21 = arith.addi %add3A_20, %mul3A_19 : i32
      %add3A_22 = arith.constant 0 : i32
      %add3A_23 = arith.addi %add3A_21, %add3A_22 : i32
      %add3A_24 = arith.constant 1 : i32
      %add3A_25 = arith.addi %add3A_23, %add3A_24 : i32
      %lt3A = arith.constant 32 : i32
      %lt3A_26 = arith.cmpi slt, %add3A_25, %lt3A : i32
      %convert_element_type3A = arith.extui %lt3A_26 : i1 to i32
      %cond3A = arith.constant 0 : i32
      %cond3A_27 = arith.cmpi ne, %convert_element_type3A, %cond3A : i32
      scf.if %cond3A_27 {
        %add3A_73 = arith.constant 1 : i32
        %add3A_74 = arith.addi %add3A_23, %add3A_73 : i32
        %mul3A_75 = arith.constant 4 : i32
        %mul3A_76 = arith.muli %add3A_74, %mul3A_75 : i32
        %add3A_77 = arith.addi %mul3A_2, %mul3A_76 : i32
        %dma_start3A_78 = arith.constant 0 : i32
        %dma_start3A_79 = tpu.memref_slice %arg2[%add3A_77, %dma_start3A_78] : memref<4096x4096xf32, #tpu.memory_space<hbm>> -> memref<4x4096xf32, #tpu.memory_space<hbm>>
        %dma_start3A_80 = arith.constant 0 : i32
        %dma_start3A_81 = tpu.memref_slice %arg2[%add3A_77, %dma_start3A_80] : memref<4096x4096xf32, #tpu.memory_space<hbm>> -> memref<4x4096xf32, #tpu.memory_space<hbm>>
        tpu.enqueue_dma source(%dma_start3A_81 : memref<4x4096xf32, #tpu.memory_space<hbm>>) target(%arg7 : memref<4x4096xf32, #tpu.memory_space<vmem>>) target_semaphore(%arg11 : memref<!tpu.dma_semaphore, #tpu.memory_space<semaphore_mem>>)
      } else {
      }
      %dma_wait3A_28 = arith.constant 0 : i32
      %dma_wait3A_29 = tpu.memref_slice %arg2[%mul3A_2, %dma_wait3A_28] : memref<4096x4096xf32, #tpu.memory_space<hbm>> -> memref<4x4096xf32, #tpu.memory_space<hbm>>
      %dma_wait3A_30 = arith.constant 0 : i32
      %dma_wait3A_31 = tpu.memref_slice %arg2[%mul3A_2, %dma_wait3A_30] : memref<4096x4096xf32, #tpu.memory_space<hbm>> -> memref<4x4096xf32, #tpu.memory_space<hbm>>
      tpu.wait_dma2 semaphore(%arg10 : memref<!tpu.dma_semaphore, #tpu.memory_space<semaphore_mem>>) src(%dma_wait3A_31 : memref<4x4096xf32, #tpu.memory_space<hbm>>) dst(%arg6 : memref<4x4096xf32, #tpu.memory_space<vmem>>)
      %ge3A = arith.constant 2 : i32
      %ge3A_32 = arith.cmpi sge, %add3A_23, %ge3A : i32
      %convert_element_type3A_33 = arith.extui %ge3A_32 : i1 to i32
      %cond3A_34 = arith.constant 0 : i32
      %cond3A_35 = arith.cmpi ne, %convert_element_type3A_33, %cond3A_34 : i32
      scf.if %cond3A_35 {
        %dma_wait3A_73 = arith.constant 0 : i32
        %dma_wait3A_74 = tpu.memref_slice %arg4[%mul3A_2, %dma_wait3A_73] : memref<4096x4096xi32, #tpu.memory_space<hbm>> -> memref<4x4096xi32, #tpu.memory_space<hbm>>
        %dma_wait3A_75 = arith.constant 0 : i32
        %dma_wait3A_76 = tpu.memref_slice %arg4[%mul3A_2, %dma_wait3A_75] : memref<4096x4096xi32, #tpu.memory_space<hbm>> -> memref<4x4096xi32, #tpu.memory_space<hbm>>
        tpu.wait_dma2 semaphore(%arg12 : memref<!tpu.dma_semaphore, #tpu.memory_space<semaphore_mem>>) src(%arg8 : memref<4x4096xi32, #tpu.memory_space<vmem>>) dst(%dma_wait3A_76 : memref<4x4096xi32, #tpu.memory_space<hbm>>)
      } else {
      }
      %parallel_loop3A = arith.constant 0 : i32
      %parallel_loop3A_36 = arith.constant 256 : i32
      %parallel_loop3A_37 = arith.constant 1 : i32
      scf.for %parallel_loop3A_73 = %parallel_loop3A to %parallel_loop3A_36 step %parallel_loop3A_37  : i32 {
        %parallel_loop3A_74 = arith.constant 16 : i32
        %parallel_loop3A_75 = arith.muli %parallel_loop3A_73, %parallel_loop3A_74 : i32
        %parallel_loop3A_76 = arith.constant 0 : i32
        %parallel_loop3A_77 = arith.index_cast %parallel_loop3A_76 : i32 to index
        %parallel_loop3A_78 = arith.index_cast %parallel_loop3A_75 : i32 to index
        %parallel_loop3A_79 = tpu.vector_load %arg6[%parallel_loop3A_77, %parallel_loop3A_78] {strides = array<i32>} : memref<4x4096xf32, #tpu.memory_space<vmem>>, vector<16xf32>,
        %parallel_loop3A_80 = arith.constant 5.115000e+02 : f32
        %parallel_loop3A_81 = vector.broadcast %parallel_loop3A_80 : f32 to vector<16xf32>
        %parallel_loop3A_82 = arith.mulf %parallel_loop3A_79, %parallel_loop3A_81 : vector<16xf32>
        %parallel_loop3A_83 = arith.constant 5.120000e+02 : f32
        %parallel_loop3A_84 = vector.broadcast %parallel_loop3A_83 : f32 to vector<16xf32>
        %parallel_loop3A_85 = arith.addf %parallel_loop3A_82, %parallel_loop3A_84 : vector<16xf32>
        %parallel_loop3A_86 = arith.constant 0.000000e+00 : f32
        %parallel_loop3A_87 = vector.broadcast %parallel_loop3A_86 : f32 to vector<16xf32>
        %parallel_loop3A_88 = arith.maximumf %parallel_loop3A_85, %parallel_loop3A_87 : vector<16xf32>
        %parallel_loop3A_89 = arith.constant 1.023500e+03 : f32
        %parallel_loop3A_90 = vector.broadcast %parallel_loop3A_89 : f32 to vector<16xf32>
        %parallel_loop3A_91 = arith.minimumf %parallel_loop3A_88, %parallel_loop3A_90 : vector<16xf32>
        %parallel_loop3A_92 = arith.fptosi %parallel_loop3A_91 : vector<16xf32> to vector<16xi32>
        %parallel_loop3A_93 = tpu.vector_load_idx %arg5[%parallel_loop3A_92] : memref<1024xf32, #tpu.memory_space<vmem>>[vector<16xi32>], vector<16xf32>,
        %parallel_loop3A_94 = arith.cmpf olt, %parallel_loop3A_93, %parallel_loop3A_79 : vector<16xf32>
        %parallel_loop3A_95 = arith.constant 1 : i32
        %parallel_loop3A_96 = vector.broadcast %parallel_loop3A_95 : i32 to vector<16xi32>
        %parallel_loop3A_97 = arith.addi %parallel_loop3A_92, %parallel_loop3A_96 : vector<16xi32>
        %parallel_loop3A_98 = arith.select %parallel_loop3A_94, %parallel_loop3A_97, %parallel_loop3A_92 : vector<16xi1>, vector<16xi32>
        %parallel_loop3A_99 = arith.constant 16 : i32
        %parallel_loop3A_100 = arith.muli %parallel_loop3A_73, %parallel_loop3A_99 : i32
        %parallel_loop3A_101 = arith.constant 0 : i32
        %parallel_loop3A_102 = arith.index_cast %parallel_loop3A_101 : i32 to index
        %parallel_loop3A_103 = arith.index_cast %parallel_loop3A_100 : i32 to index
        %parallel_loop3A_104 = tpu.vector_load %arg8[%parallel_loop3A_102, %parallel_loop3A_103] {strides = array<i32>} : memref<4x4096xi32, #tpu.memory_space<vmem>>, vector<16xi32>,
        tpu.vector_store %arg8[%parallel_loop3A_102, %parallel_loop3A_103], %parallel_loop3A_98 {strides = array<i32>} : memref<4x4096xi32, #tpu.memory_space<vmem>>, vector<16xi32>,
        %parallel_loop3A_105 = arith.constant 16 : i32
        %parallel_loop3A_106 = arith.muli %parallel_loop3A_73, %parallel_loop3A_105 : i32
        %parallel_loop3A_107 = arith.constant 1 : i32
        %parallel_loop3A_108 = arith.index_cast %parallel_loop3A_107 : i32 to index
        %parallel_loop3A_109 = arith.index_cast %parallel_loop3A_106 : i32 to index
        %parallel_loop3A_110 = tpu.vector_load %arg6[%parallel_loop3A_108, %parallel_loop3A_109] {strides = array<i32>} : memref<4x4096xf32, #tpu.memory_space<vmem>>, vector<16xf32>,
        %parallel_loop3A_111 = arith.constant 5.115000e+02 : f32
        %parallel_loop3A_112 = vector.broadcast %parallel_loop3A_111 : f32 to vector<16xf32>
        %parallel_loop3A_113 = arith.mulf %parallel_loop3A_110, %parallel_loop3A_112 : vector<16xf32>
        %parallel_loop3A_114 = arith.constant 5.120000e+02 : f32
        %parallel_loop3A_115 = vector.broadcast %parallel_loop3A_114 : f32 to vector<16xf32>
        %parallel_loop3A_116 = arith.addf %parallel_loop3A_113, %parallel_loop3A_115 : vector<16xf32>
        %parallel_loop3A_117 = arith.constant 0.000000e+00 : f32
        %parallel_loop3A_118 = vector.broadcast %parallel_loop3A_117 : f32 to vector<16xf32>
        %parallel_loop3A_119 = arith.maximumf %parallel_loop3A_116, %parallel_loop3A_118 : vector<16xf32>
        %parallel_loop3A_120 = arith.constant 1.023500e+03 : f32
        %parallel_loop3A_121 = vector.broadcast %parallel_loop3A_120 : f32 to vector<16xf32>
        %parallel_loop3A_122 = arith.minimumf %parallel_loop3A_119, %parallel_loop3A_121 : vector<16xf32>
        %parallel_loop3A_123 = arith.fptosi %parallel_loop3A_122 : vector<16xf32> to vector<16xi32>
        %parallel_loop3A_124 = tpu.vector_load_idx %arg5[%parallel_loop3A_123] : memref<1024xf32, #tpu.memory_space<vmem>>[vector<16xi32>], vector<16xf32>,
        %parallel_loop3A_125 = arith.cmpf olt, %parallel_loop3A_124, %parallel_loop3A_110 : vector<16xf32>
        %parallel_loop3A_126 = arith.constant 1 : i32
        %parallel_loop3A_127 = vector.broadcast %parallel_loop3A_126 : i32 to vector<16xi32>
        %parallel_loop3A_128 = arith.addi %parallel_loop3A_123, %parallel_loop3A_127 : vector<16xi32>
        %parallel_loop3A_129 = arith.select %parallel_loop3A_125, %parallel_loop3A_128, %parallel_loop3A_123 : vector<16xi1>, vector<16xi32>
        %parallel_loop3A_130 = arith.constant 16 : i32
        %parallel_loop3A_131 = arith.muli %parallel_loop3A_73, %parallel_loop3A_130 : i32
        %parallel_loop3A_132 = arith.constant 1 : i32
        %parallel_loop3A_133 = arith.index_cast %parallel_loop3A_132 : i32 to index
        %parallel_loop3A_134 = arith.index_cast %parallel_loop3A_131 : i32 to index
        %parallel_loop3A_135 = tpu.vector_load %arg8[%parallel_loop3A_133, %parallel_loop3A_134] {strides = array<i32>} : memref<4x4096xi32, #tpu.memory_space<vmem>>, vector<16xi32>,
        tpu.vector_store %arg8[%parallel_loop3A_133, %parallel_loop3A_134], %parallel_loop3A_129 {strides = array<i32>} : memref<4x4096xi32, #tpu.memory_space<vmem>>, vector<16xi32>,
        %parallel_loop3A_136 = arith.constant 16 : i32
        %parallel_loop3A_137 = arith.muli %parallel_loop3A_73, %parallel_loop3A_136 : i32
        %parallel_loop3A_138 = arith.constant 2 : i32
        %parallel_loop3A_139 = arith.index_cast %parallel_loop3A_138 : i32 to index
        %parallel_loop3A_140 = arith.index_cast %parallel_loop3A_137 : i32 to index
        %parallel_loop3A_141 = tpu.vector_load %arg6[%parallel_loop3A_139, %parallel_loop3A_140] {strides = array<i32>} : memref<4x4096xf32, #tpu.memory_space<vmem>>, vector<16xf32>,
        %parallel_loop3A_142 = arith.constant 5.115000e+02 : f32
        %parallel_loop3A_143 = vector.broadcast %parallel_loop3A_142 : f32 to vector<16xf32>
        %parallel_loop3A_144 = arith.mulf %parallel_loop3A_141, %parallel_loop3A_143 : vector<16xf32>
        %parallel_loop3A_145 = arith.constant 5.120000e+02 : f32
        %parallel_loop3A_146 = vector.broadcast %parallel_loop3A_145 : f32 to vector<16xf32>
        %parallel_loop3A_147 = arith.addf %parallel_loop3A_144, %parallel_loop3A_146 : vector<16xf32>
        %parallel_loop3A_148 = arith.constant 0.000000e+00 : f32
        %parallel_loop3A_149 = vector.broadcast %parallel_loop3A_148 : f32 to vector<16xf32>
        %parallel_loop3A_150 = arith.maximumf %parallel_loop3A_147, %parallel_loop3A_149 : vector<16xf32>
        %parallel_loop3A_151 = arith.constant 1.023500e+03 : f32
        %parallel_loop3A_152 = vector.broadcast %parallel_loop3A_151 : f32 to vector<16xf32>
        %parallel_loop3A_153 = arith.minimumf %parallel_loop3A_150, %parallel_loop3A_152 : vector<16xf32>
        %parallel_loop3A_154 = arith.fptosi %parallel_loop3A_153 : vector<16xf32> to vector<16xi32>
        %parallel_loop3A_155 = tpu.vector_load_idx %arg5[%parallel_loop3A_154] : memref<1024xf32, #tpu.memory_space<vmem>>[vector<16xi32>], vector<16xf32>,
        %parallel_loop3A_156 = arith.cmpf olt, %parallel_loop3A_155, %parallel_loop3A_141 : vector<16xf32>
        %parallel_loop3A_157 = arith.constant 1 : i32
        %parallel_loop3A_158 = vector.broadcast %parallel_loop3A_157 : i32 to vector<16xi32>
        %parallel_loop3A_159 = arith.addi %parallel_loop3A_154, %parallel_loop3A_158 : vector<16xi32>
        %parallel_loop3A_160 = arith.select %parallel_loop3A_156, %parallel_loop3A_159, %parallel_loop3A_154 : vector<16xi1>, vector<16xi32>
        %parallel_loop3A_161 = arith.constant 16 : i32
        %parallel_loop3A_162 = arith.muli %parallel_loop3A_73, %parallel_loop3A_161 : i32
        %parallel_loop3A_163 = arith.constant 2 : i32
        %parallel_loop3A_164 = arith.index_cast %parallel_loop3A_163 : i32 to index
        %parallel_loop3A_165 = arith.index_cast %parallel_loop3A_162 : i32 to index
        %parallel_loop3A_166 = tpu.vector_load %arg8[%parallel_loop3A_164, %parallel_loop3A_165] {strides = array<i32>} : memref<4x4096xi32, #tpu.memory_space<vmem>>, vector<16xi32>,
        tpu.vector_store %arg8[%parallel_loop3A_164, %parallel_loop3A_165], %parallel_loop3A_160 {strides = array<i32>} : memref<4x4096xi32, #tpu.memory_space<vmem>>, vector<16xi32>,
        %parallel_loop3A_167 = arith.constant 16 : i32
        %parallel_loop3A_168 = arith.muli %parallel_loop3A_73, %parallel_loop3A_167 : i32
        %parallel_loop3A_169 = arith.constant 3 : i32
        %parallel_loop3A_170 = arith.index_cast %parallel_loop3A_169 : i32 to index
        %parallel_loop3A_171 = arith.index_cast %parallel_loop3A_168 : i32 to index
        %parallel_loop3A_172 = tpu.vector_load %arg6[%parallel_loop3A_170, %parallel_loop3A_171] {strides = array<i32>} : memref<4x4096xf32, #tpu.memory_space<vmem>>, vector<16xf32>,
        %parallel_loop3A_173 = arith.constant 5.115000e+02 : f32
        %parallel_loop3A_174 = vector.broadcast %parallel_loop3A_173 : f32 to vector<16xf32>
        %parallel_loop3A_175 = arith.mulf %parallel_loop3A_172, %parallel_loop3A_174 : vector<16xf32>
        %parallel_loop3A_176 = arith.constant 5.120000e+02 : f32
        %parallel_loop3A_177 = vector.broadcast %parallel_loop3A_176 : f32 to vector<16xf32>
        %parallel_loop3A_178 = arith.addf %parallel_loop3A_175, %parallel_loop3A_177 : vector<16xf32>
        %parallel_loop3A_179 = arith.constant 0.000000e+00 : f32
        %parallel_loop3A_180 = vector.broadcast %parallel_loop3A_179 : f32 to vector<16xf32>
        %parallel_loop3A_181 = arith.maximumf %parallel_loop3A_178, %parallel_loop3A_180 : vector<16xf32>
        %parallel_loop3A_182 = arith.constant 1.023500e+03 : f32
        %parallel_loop3A_183 = vector.broadcast %parallel_loop3A_182 : f32 to vector<16xf32>
        %parallel_loop3A_184 = arith.minimumf %parallel_loop3A_181, %parallel_loop3A_183 : vector<16xf32>
        %parallel_loop3A_185 = arith.fptosi %parallel_loop3A_184 : vector<16xf32> to vector<16xi32>
        %parallel_loop3A_186 = tpu.vector_load_idx %arg5[%parallel_loop3A_185] : memref<1024xf32, #tpu.memory_space<vmem>>[vector<16xi32>], vector<16xf32>,
        %parallel_loop3A_187 = arith.cmpf olt, %parallel_loop3A_186, %parallel_loop3A_172 : vector<16xf32>
        %parallel_loop3A_188 = arith.constant 1 : i32
        %parallel_loop3A_189 = vector.broadcast %parallel_loop3A_188 : i32 to vector<16xi32>
        %parallel_loop3A_190 = arith.addi %parallel_loop3A_185, %parallel_loop3A_189 : vector<16xi32>
        %parallel_loop3A_191 = arith.select %parallel_loop3A_187, %parallel_loop3A_190, %parallel_loop3A_185 : vector<16xi1>, vector<16xi32>
        %parallel_loop3A_192 = arith.constant 16 : i32
        %parallel_loop3A_193 = arith.muli %parallel_loop3A_73, %parallel_loop3A_192 : i32
        %parallel_loop3A_194 = arith.constant 3 : i32
        %parallel_loop3A_195 = arith.index_cast %parallel_loop3A_194 : i32 to index
        %parallel_loop3A_196 = arith.index_cast %parallel_loop3A_193 : i32 to index
        %parallel_loop3A_197 = tpu.vector_load %arg8[%parallel_loop3A_195, %parallel_loop3A_196] {strides = array<i32>} : memref<4x4096xi32, #tpu.memory_space<vmem>>, vector<16xi32>,
        tpu.vector_store %arg8[%parallel_loop3A_195, %parallel_loop3A_196], %parallel_loop3A_191 {strides = array<i32>} : memref<4x4096xi32, #tpu.memory_space<vmem>>, vector<16xi32>,
      } {sc.loop_unroll_factor = 8 : i64, sc.parallel_access}
      %mul3A_38 = arith.constant 4 : i32
      %mul3A_39 = arith.muli %add3A_23, %mul3A_38 : i32
      %add3A_40 = arith.addi %mul3A_2, %mul3A_39 : i32
      %dma_start3A_41 = arith.constant 0 : i32
      %dma_start3A_42 = tpu.memref_slice %arg4[%add3A_40, %dma_start3A_41] : memref<4096x4096xi32, #tpu.memory_space<hbm>> -> memref<4x4096xi32, #tpu.memory_space<hbm>>
      %dma_start3A_43 = arith.constant 0 : i32
      %dma_start3A_44 = tpu.memref_slice %arg4[%add3A_40, %dma_start3A_43] : memref<4096x4096xi32, #tpu.memory_space<hbm>> -> memref<4x4096xi32, #tpu.memory_space<hbm>>
      tpu.enqueue_dma source(%arg8 : memref<4x4096xi32, #tpu.memory_space<vmem>>) target(%dma_start3A_44 : memref<4x4096xi32, #tpu.memory_space<hbm>>) target_semaphore(%arg12 : memref<!tpu.dma_semaphore, #tpu.memory_space<semaphore_mem>>)
      %add3A_45 = arith.constant 1 : i32
      %add3A_46 = arith.addi %add3A_21, %add3A_45 : i32
      %add3A_47 = arith.constant 1 : i32
      %add3A_48 = arith.addi %add3A_46, %add3A_47 : i32
      %lt3A_49 = arith.constant 32 : i32
      %lt3A_50 = arith.cmpi slt, %add3A_48, %lt3A_49 : i32
      %convert_element_type3A_51 = arith.extui %lt3A_50 : i1 to i32
      %cond3A_52 = arith.constant 0 : i32
      %cond3A_53 = arith.cmpi ne, %convert_element_type3A_51, %cond3A_52 : i32
      scf.if %cond3A_53 {
        %add3A_73 = arith.constant 1 : i32
        %add3A_74 = arith.addi %add3A_46, %add3A_73 : i32
        %mul3A_75 = arith.constant 4 : i32
        %mul3A_76 = arith.muli %add3A_74, %mul3A_75 : i32
        %add3A_77 = arith.addi %mul3A_2, %mul3A_76 : i32
        %dma_start3A_78 = arith.constant 0 : i32
        %dma_start3A_79 = tpu.memref_slice %arg2[%add3A_77, %dma_start3A_78] : memref<4096x4096xf32, #tpu.memory_space<hbm>> -> memref<4x4096xf32, #tpu.memory_space<hbm>>
        %dma_start3A_80 = arith.constant 0 : i32
        %dma_start3A_81 = tpu.memref_slice %arg2[%add3A_77, %dma_start3A_80] : memref<4096x4096xf32, #tpu.memory_space<hbm>> -> memref<4x4096xf32, #tpu.memory_space<hbm>>
        tpu.enqueue_dma source(%dma_start3A_81 : memref<4x4096xf32, #tpu.memory_space<hbm>>) target(%arg6 : memref<4x4096xf32, #tpu.memory_space<vmem>>) target_semaphore(%arg10 : memref<!tpu.dma_semaphore, #tpu.memory_space<semaphore_mem>>)
      } else {
      }
      %dma_wait3A_54 = arith.constant 0 : i32
      %dma_wait3A_55 = tpu.memref_slice %arg2[%mul3A_2, %dma_wait3A_54] : memref<4096x4096xf32, #tpu.memory_space<hbm>> -> memref<4x4096xf32, #tpu.memory_space<hbm>>
      %dma_wait3A_56 = arith.constant 0 : i32
      %dma_wait3A_57 = tpu.memref_slice %arg2[%mul3A_2, %dma_wait3A_56] : memref<4096x4096xf32, #tpu.memory_space<hbm>> -> memref<4x4096xf32, #tpu.memory_space<hbm>>
      tpu.wait_dma2 semaphore(%arg11 : memref<!tpu.dma_semaphore, #tpu.memory_space<semaphore_mem>>) src(%dma_wait3A_57 : memref<4x4096xf32, #tpu.memory_space<hbm>>) dst(%arg7 : memref<4x4096xf32, #tpu.memory_space<vmem>>)
      %ge3A_58 = arith.constant 2 : i32
      %ge3A_59 = arith.cmpi sge, %add3A_46, %ge3A_58 : i32
      %convert_element_type3A_60 = arith.extui %ge3A_59 : i1 to i32
      %cond3A_61 = arith.constant 0 : i32
      %cond3A_62 = arith.cmpi ne, %convert_element_type3A_60, %cond3A_61 : i32
      scf.if %cond3A_62 {
        %dma_wait3A_73 = arith.constant 0 : i32
        %dma_wait3A_74 = tpu.memref_slice %arg4[%mul3A_2, %dma_wait3A_73] : memref<4096x4096xi32, #tpu.memory_space<hbm>> -> memref<4x4096xi32, #tpu.memory_space<hbm>>
        %dma_wait3A_75 = arith.constant 0 : i32
        %dma_wait3A_76 = tpu.memref_slice %arg4[%mul3A_2, %dma_wait3A_75] : memref<4096x4096xi32, #tpu.memory_space<hbm>> -> memref<4x4096xi32, #tpu.memory_space<hbm>>
        tpu.wait_dma2 semaphore(%arg13 : memref<!tpu.dma_semaphore, #tpu.memory_space<semaphore_mem>>) src(%arg9 : memref<4x4096xi32, #tpu.memory_space<vmem>>) dst(%dma_wait3A_76 : memref<4x4096xi32, #tpu.memory_space<hbm>>)
      } else {
      }
      %parallel_loop3A_63 = arith.constant 0 : i32
      %parallel_loop3A_64 = arith.constant 256 : i32
      %parallel_loop3A_65 = arith.constant 1 : i32
      scf.for %parallel_loop3A_73 = %parallel_loop3A_63 to %parallel_loop3A_64 step %parallel_loop3A_65  : i32 {
        %parallel_loop3A_74 = arith.constant 16 : i32
        %parallel_loop3A_75 = arith.muli %parallel_loop3A_73, %parallel_loop3A_74 : i32
        %parallel_loop3A_76 = arith.constant 0 : i32
        %parallel_loop3A_77 = arith.index_cast %parallel_loop3A_76 : i32 to index
        %parallel_loop3A_78 = arith.index_cast %parallel_loop3A_75 : i32 to index
        %parallel_loop3A_79 = tpu.vector_load %arg7[%parallel_loop3A_77, %parallel_loop3A_78] {strides = array<i32>} : memref<4x4096xf32, #tpu.memory_space<vmem>>, vector<16xf32>,
        %parallel_loop3A_80 = arith.constant 5.115000e+02 : f32
        %parallel_loop3A_81 = vector.broadcast %parallel_loop3A_80 : f32 to vector<16xf32>
        %parallel_loop3A_82 = arith.mulf %parallel_loop3A_79, %parallel_loop3A_81 : vector<16xf32>
        %parallel_loop3A_83 = arith.constant 5.120000e+02 : f32
        %parallel_loop3A_84 = vector.broadcast %parallel_loop3A_83 : f32 to vector<16xf32>
        %parallel_loop3A_85 = arith.addf %parallel_loop3A_82, %parallel_loop3A_84 : vector<16xf32>
        %parallel_loop3A_86 = arith.constant 0.000000e+00 : f32
        %parallel_loop3A_87 = vector.broadcast %parallel_loop3A_86 : f32 to vector<16xf32>
        %parallel_loop3A_88 = arith.maximumf %parallel_loop3A_85, %parallel_loop3A_87 : vector<16xf32>
        %parallel_loop3A_89 = arith.constant 1.023500e+03 : f32
        %parallel_loop3A_90 = vector.broadcast %parallel_loop3A_89 : f32 to vector<16xf32>
        %parallel_loop3A_91 = arith.minimumf %parallel_loop3A_88, %parallel_loop3A_90 : vector<16xf32>
        %parallel_loop3A_92 = arith.fptosi %parallel_loop3A_91 : vector<16xf32> to vector<16xi32>
        %parallel_loop3A_93 = tpu.vector_load_idx %arg5[%parallel_loop3A_92] : memref<1024xf32, #tpu.memory_space<vmem>>[vector<16xi32>], vector<16xf32>,
        %parallel_loop3A_94 = arith.cmpf olt, %parallel_loop3A_93, %parallel_loop3A_79 : vector<16xf32>
        %parallel_loop3A_95 = arith.constant 1 : i32
        %parallel_loop3A_96 = vector.broadcast %parallel_loop3A_95 : i32 to vector<16xi32>
        %parallel_loop3A_97 = arith.addi %parallel_loop3A_92, %parallel_loop3A_96 : vector<16xi32>
        %parallel_loop3A_98 = arith.select %parallel_loop3A_94, %parallel_loop3A_97, %parallel_loop3A_92 : vector<16xi1>, vector<16xi32>
        %parallel_loop3A_99 = arith.constant 16 : i32
        %parallel_loop3A_100 = arith.muli %parallel_loop3A_73, %parallel_loop3A_99 : i32
        %parallel_loop3A_101 = arith.constant 0 : i32
        %parallel_loop3A_102 = arith.index_cast %parallel_loop3A_101 : i32 to index
        %parallel_loop3A_103 = arith.index_cast %parallel_loop3A_100 : i32 to index
        %parallel_loop3A_104 = tpu.vector_load %arg9[%parallel_loop3A_102, %parallel_loop3A_103] {strides = array<i32>} : memref<4x4096xi32, #tpu.memory_space<vmem>>, vector<16xi32>,
        tpu.vector_store %arg9[%parallel_loop3A_102, %parallel_loop3A_103], %parallel_loop3A_98 {strides = array<i32>} : memref<4x4096xi32, #tpu.memory_space<vmem>>, vector<16xi32>,
        %parallel_loop3A_105 = arith.constant 16 : i32
        %parallel_loop3A_106 = arith.muli %parallel_loop3A_73, %parallel_loop3A_105 : i32
        %parallel_loop3A_107 = arith.constant 1 : i32
        %parallel_loop3A_108 = arith.index_cast %parallel_loop3A_107 : i32 to index
        %parallel_loop3A_109 = arith.index_cast %parallel_loop3A_106 : i32 to index
        %parallel_loop3A_110 = tpu.vector_load %arg7[%parallel_loop3A_108, %parallel_loop3A_109] {strides = array<i32>} : memref<4x4096xf32, #tpu.memory_space<vmem>>, vector<16xf32>,
        %parallel_loop3A_111 = arith.constant 5.115000e+02 : f32
        %parallel_loop3A_112 = vector.broadcast %parallel_loop3A_111 : f32 to vector<16xf32>
        %parallel_loop3A_113 = arith.mulf %parallel_loop3A_110, %parallel_loop3A_112 : vector<16xf32>
        %parallel_loop3A_114 = arith.constant 5.120000e+02 : f32
        %parallel_loop3A_115 = vector.broadcast %parallel_loop3A_114 : f32 to vector<16xf32>
        %parallel_loop3A_116 = arith.addf %parallel_loop3A_113, %parallel_loop3A_115 : vector<16xf32>
        %parallel_loop3A_117 = arith.constant 0.000000e+00 : f32
        %parallel_loop3A_118 = vector.broadcast %parallel_loop3A_117 : f32 to vector<16xf32>
        %parallel_loop3A_119 = arith.maximumf %parallel_loop3A_116, %parallel_loop3A_118 : vector<16xf32>
        %parallel_loop3A_120 = arith.constant 1.023500e+03 : f32
        %parallel_loop3A_121 = vector.broadcast %parallel_loop3A_120 : f32 to vector<16xf32>
        %parallel_loop3A_122 = arith.minimumf %parallel_loop3A_119, %parallel_loop3A_121 : vector<16xf32>
        %parallel_loop3A_123 = arith.fptosi %parallel_loop3A_122 : vector<16xf32> to vector<16xi32>
        %parallel_loop3A_124 = tpu.vector_load_idx %arg5[%parallel_loop3A_123] : memref<1024xf32, #tpu.memory_space<vmem>>[vector<16xi32>], vector<16xf32>,
        %parallel_loop3A_125 = arith.cmpf olt, %parallel_loop3A_124, %parallel_loop3A_110 : vector<16xf32>
        %parallel_loop3A_126 = arith.constant 1 : i32
        %parallel_loop3A_127 = vector.broadcast %parallel_loop3A_126 : i32 to vector<16xi32>
        %parallel_loop3A_128 = arith.addi %parallel_loop3A_123, %parallel_loop3A_127 : vector<16xi32>
        %parallel_loop3A_129 = arith.select %parallel_loop3A_125, %parallel_loop3A_128, %parallel_loop3A_123 : vector<16xi1>, vector<16xi32>
        %parallel_loop3A_130 = arith.constant 16 : i32
        %parallel_loop3A_131 = arith.muli %parallel_loop3A_73, %parallel_loop3A_130 : i32
        %parallel_loop3A_132 = arith.constant 1 : i32
        %parallel_loop3A_133 = arith.index_cast %parallel_loop3A_132 : i32 to index
        %parallel_loop3A_134 = arith.index_cast %parallel_loop3A_131 : i32 to index
        %parallel_loop3A_135 = tpu.vector_load %arg9[%parallel_loop3A_133, %parallel_loop3A_134] {strides = array<i32>} : memref<4x4096xi32, #tpu.memory_space<vmem>>, vector<16xi32>,
        tpu.vector_store %arg9[%parallel_loop3A_133, %parallel_loop3A_134], %parallel_loop3A_129 {strides = array<i32>} : memref<4x4096xi32, #tpu.memory_space<vmem>>, vector<16xi32>,
        %parallel_loop3A_136 = arith.constant 16 : i32
        %parallel_loop3A_137 = arith.muli %parallel_loop3A_73, %parallel_loop3A_136 : i32
        %parallel_loop3A_138 = arith.constant 2 : i32
        %parallel_loop3A_139 = arith.index_cast %parallel_loop3A_138 : i32 to index
        %parallel_loop3A_140 = arith.index_cast %parallel_loop3A_137 : i32 to index
        %parallel_loop3A_141 = tpu.vector_load %arg7[%parallel_loop3A_139, %parallel_loop3A_140] {strides = array<i32>} : memref<4x4096xf32, #tpu.memory_space<vmem>>, vector<16xf32>,
        %parallel_loop3A_142 = arith.constant 5.115000e+02 : f32
        %parallel_loop3A_143 = vector.broadcast %parallel_loop3A_142 : f32 to vector<16xf32>
        %parallel_loop3A_144 = arith.mulf %parallel_loop3A_141, %parallel_loop3A_143 : vector<16xf32>
        %parallel_loop3A_145 = arith.constant 5.120000e+02 : f32
        %parallel_loop3A_146 = vector.broadcast %parallel_loop3A_145 : f32 to vector<16xf32>
        %parallel_loop3A_147 = arith.addf %parallel_loop3A_144, %parallel_loop3A_146 : vector<16xf32>
        %parallel_loop3A_148 = arith.constant 0.000000e+00 : f32
        %parallel_loop3A_149 = vector.broadcast %parallel_loop3A_148 : f32 to vector<16xf32>
        %parallel_loop3A_150 = arith.maximumf %parallel_loop3A_147, %parallel_loop3A_149 : vector<16xf32>
        %parallel_loop3A_151 = arith.constant 1.023500e+03 : f32
        %parallel_loop3A_152 = vector.broadcast %parallel_loop3A_151 : f32 to vector<16xf32>
        %parallel_loop3A_153 = arith.minimumf %parallel_loop3A_150, %parallel_loop3A_152 : vector<16xf32>
        %parallel_loop3A_154 = arith.fptosi %parallel_loop3A_153 : vector<16xf32> to vector<16xi32>
        %parallel_loop3A_155 = tpu.vector_load_idx %arg5[%parallel_loop3A_154] : memref<1024xf32, #tpu.memory_space<vmem>>[vector<16xi32>], vector<16xf32>,
        %parallel_loop3A_156 = arith.cmpf olt, %parallel_loop3A_155, %parallel_loop3A_141 : vector<16xf32>
        %parallel_loop3A_157 = arith.constant 1 : i32
        %parallel_loop3A_158 = vector.broadcast %parallel_loop3A_157 : i32 to vector<16xi32>
        %parallel_loop3A_159 = arith.addi %parallel_loop3A_154, %parallel_loop3A_158 : vector<16xi32>
        %parallel_loop3A_160 = arith.select %parallel_loop3A_156, %parallel_loop3A_159, %parallel_loop3A_154 : vector<16xi1>, vector<16xi32>
        %parallel_loop3A_161 = arith.constant 16 : i32
        %parallel_loop3A_162 = arith.muli %parallel_loop3A_73, %parallel_loop3A_161 : i32
        %parallel_loop3A_163 = arith.constant 2 : i32
        %parallel_loop3A_164 = arith.index_cast %parallel_loop3A_163 : i32 to index
        %parallel_loop3A_165 = arith.index_cast %parallel_loop3A_162 : i32 to index
        %parallel_loop3A_166 = tpu.vector_load %arg9[%parallel_loop3A_164, %parallel_loop3A_165] {strides = array<i32>} : memref<4x4096xi32, #tpu.memory_space<vmem>>, vector<16xi32>,
        tpu.vector_store %arg9[%parallel_loop3A_164, %parallel_loop3A_165], %parallel_loop3A_160 {strides = array<i32>} : memref<4x4096xi32, #tpu.memory_space<vmem>>, vector<16xi32>,
        %parallel_loop3A_167 = arith.constant 16 : i32
        %parallel_loop3A_168 = arith.muli %parallel_loop3A_73, %parallel_loop3A_167 : i32
        %parallel_loop3A_169 = arith.constant 3 : i32
        %parallel_loop3A_170 = arith.index_cast %parallel_loop3A_169 : i32 to index
        %parallel_loop3A_171 = arith.index_cast %parallel_loop3A_168 : i32 to index
        %parallel_loop3A_172 = tpu.vector_load %arg7[%parallel_loop3A_170, %parallel_loop3A_171] {strides = array<i32>} : memref<4x4096xf32, #tpu.memory_space<vmem>>, vector<16xf32>,
        %parallel_loop3A_173 = arith.constant 5.115000e+02 : f32
        %parallel_loop3A_174 = vector.broadcast %parallel_loop3A_173 : f32 to vector<16xf32>
        %parallel_loop3A_175 = arith.mulf %parallel_loop3A_172, %parallel_loop3A_174 : vector<16xf32>
        %parallel_loop3A_176 = arith.constant 5.120000e+02 : f32
        %parallel_loop3A_177 = vector.broadcast %parallel_loop3A_176 : f32 to vector<16xf32>
        %parallel_loop3A_178 = arith.addf %parallel_loop3A_175, %parallel_loop3A_177 : vector<16xf32>
        %parallel_loop3A_179 = arith.constant 0.000000e+00 : f32
        %parallel_loop3A_180 = vector.broadcast %parallel_loop3A_179 : f32 to vector<16xf32>
        %parallel_loop3A_181 = arith.maximumf %parallel_loop3A_178, %parallel_loop3A_180 : vector<16xf32>
        %parallel_loop3A_182 = arith.constant 1.023500e+03 : f32
        %parallel_loop3A_183 = vector.broadcast %parallel_loop3A_182 : f32 to vector<16xf32>
        %parallel_loop3A_184 = arith.minimumf %parallel_loop3A_181, %parallel_loop3A_183 : vector<16xf32>
        %parallel_loop3A_185 = arith.fptosi %parallel_loop3A_184 : vector<16xf32> to vector<16xi32>
        %parallel_loop3A_186 = tpu.vector_load_idx %arg5[%parallel_loop3A_185] : memref<1024xf32, #tpu.memory_space<vmem>>[vector<16xi32>], vector<16xf32>,
        %parallel_loop3A_187 = arith.cmpf olt, %parallel_loop3A_186, %parallel_loop3A_172 : vector<16xf32>
        %parallel_loop3A_188 = arith.constant 1 : i32
        %parallel_loop3A_189 = vector.broadcast %parallel_loop3A_188 : i32 to vector<16xi32>
        %parallel_loop3A_190 = arith.addi %parallel_loop3A_185, %parallel_loop3A_189 : vector<16xi32>
        %parallel_loop3A_191 = arith.select %parallel_loop3A_187, %parallel_loop3A_190, %parallel_loop3A_185 : vector<16xi1>, vector<16xi32>
        %parallel_loop3A_192 = arith.constant 16 : i32
        %parallel_loop3A_193 = arith.muli %parallel_loop3A_73, %parallel_loop3A_192 : i32
        %parallel_loop3A_194 = arith.constant 3 : i32
        %parallel_loop3A_195 = arith.index_cast %parallel_loop3A_194 : i32 to index
        %parallel_loop3A_196 = arith.index_cast %parallel_loop3A_193 : i32 to index
        %parallel_loop3A_197 = tpu.vector_load %arg9[%parallel_loop3A_195, %parallel_loop3A_196] {strides = array<i32>} : memref<4x4096xi32, #tpu.memory_space<vmem>>, vector<16xi32>,
        tpu.vector_store %arg9[%parallel_loop3A_195, %parallel_loop3A_196], %parallel_loop3A_191 {strides = array<i32>} : memref<4x4096xi32, #tpu.memory_space<vmem>>, vector<16xi32>,
      } {sc.loop_unroll_factor = 8 : i64, sc.parallel_access}
      %mul3A_66 = arith.constant 4 : i32
      %mul3A_67 = arith.muli %add3A_46, %mul3A_66 : i32
      %add3A_68 = arith.addi %mul3A_2, %mul3A_67 : i32
      %dma_start3A_69 = arith.constant 0 : i32
      %dma_start3A_70 = tpu.memref_slice %arg4[%add3A_68, %dma_start3A_69] : memref<4096x4096xi32, #tpu.memory_space<hbm>> -> memref<4x4096xi32, #tpu.memory_space<hbm>>
      %dma_start3A_71 = arith.constant 0 : i32
      %dma_start3A_72 = tpu.memref_slice %arg4[%add3A_68, %dma_start3A_71] : memref<4096x4096xi32, #tpu.memory_space<hbm>> -> memref<4x4096xi32, #tpu.memory_space<hbm>>
      tpu.enqueue_dma source(%arg9 : memref<4x4096xi32, #tpu.memory_space<vmem>>) target(%dma_start3A_72 : memref<4x4096xi32, #tpu.memory_space<hbm>>) target_semaphore(%arg13 : memref<!tpu.dma_semaphore, #tpu.memory_space<semaphore_mem>>)
    }
    %scan3A_9 = arith.constant 16 : i32
    %dma_wait3A = arith.constant 0 : i32
    %dma_wait3A_10 = tpu.memref_slice %arg4[%mul3A_2, %dma_wait3A] : memref<4096x4096xi32, #tpu.memory_space<hbm>> -> memref<4x4096xi32, #tpu.memory_space<hbm>>
    %dma_wait3A_11 = arith.constant 0 : i32
    %dma_wait3A_12 = tpu.memref_slice %arg4[%mul3A_2, %dma_wait3A_11] : memref<4096x4096xi32, #tpu.memory_space<hbm>> -> memref<4x4096xi32, #tpu.memory_space<hbm>>
    tpu.wait_dma2 semaphore(%arg12 : memref<!tpu.dma_semaphore, #tpu.memory_space<semaphore_mem>>) src(%arg8 : memref<4x4096xi32, #tpu.memory_space<vmem>>) dst(%dma_wait3A_12 : memref<4x4096xi32, #tpu.memory_space<hbm>>)
    %dma_wait3A_13 = arith.constant 0 : i32
    %dma_wait3A_14 = tpu.memref_slice %arg4[%mul3A_2, %dma_wait3A_13] : memref<4096x4096xi32, #tpu.memory_space<hbm>> -> memref<4x4096xi32, #tpu.memory_space<hbm>>
    %dma_wait3A_15 = arith.constant 0 : i32
    %dma_wait3A_16 = tpu.memref_slice %arg4[%mul3A_2, %dma_wait3A_15] : memref<4096x4096xi32, #tpu.memory_space<hbm>> -> memref<4x4096xi32, #tpu.memory_space<hbm>>
    tpu.wait_dma2 semaphore(%arg13 : memref<!tpu.dma_semaphore, #tpu.memory_space<semaphore_mem>>) src(%arg9 : memref<4x4096xi32, #tpu.memory_space<vmem>>) dst(%dma_wait3A_16 : memref<4x4096xi32, #tpu.memory_space<hbm>>)
    return
  }
}

</mosaic_0001>

<sc_bundles>
// kernel: _bucketize_sc.3.cloned.1.call-start
scs
__scs_entry_jumppad:
0x0: {  	(pc) =	sbr.rel $0x88, $3  }
0x1: {  	(tag) =	ssettag $0x0;
	lr =	simm.s32 $0x1  }
0x2: {  	[smem:$0x3F9F] =	sst lr;
	_ =	strace $0xD0000000  }
0x3: {  	_ = 	snop  }
0x4: {  	_ = 	snop  }
0x5: {  	_ = 	snop  }
0x6: {  	_ = 	snop  }
0x7: {  	_ = 	snop  }
__scs_overlays_trampoline_lowered:
0x8: {  	[smem:$0x3FAE] =	sst s0  }
0x9: {  	[smem:$0x3FAF] =	sst s1  }
0xa: {  	[smem:$0x3FB0] =	sst s2  }
0xb: {  	[smem:$0x3FB1] =	sst s3  }
0xc: {  	[smem:$0x3FB2] =	sst s4  }
0xd: {  	[smem:$0x3FB3] =	sst s5  }
0xe: {  	[smem:$0x3FB4] =	sst s6  }
0xf: {  	[smem:$0x3FB5] =	sst s7  }
0x10: {  	[smem:$0x3FB6] =	sst s8  }
0x11: {  	[smem:$0x3FB7] =	sst s9;
	s0 =	simm.s32 @!p0 $0x0  }
0x12: {  	s1 =	sld [smem:$0x3F9D];
	s0 =	simm.s32 @p0 $0x1  }
0x13: {  	[smem:$0x3FB8] =	sst s0;
	s0 =	simm.s32 @!p1 $0x0  }
0x14: {  	s2 =	sld [smem:$0x3F9C];
	s0 =	simm.s32 @p1 $0x1  }
0x15: {  	[smem:$0x3FB9] =	sst s0;
	s0 =	simm.s32 @!p2 $0x0  }
0x16: {  	s3 =	sld [smem:$0x3FDB];
	s0 =	simm.s32 @p2 $0x1  }
0x17: {  	s4 =	simm.s32 $0x1BF5;
	[smem:$0x3FBB] =	sst s0  }
0x18: {  	s0 =	sld [smem:$0x3F9E];
	_ =	swait.ge [sflag:s4], $0x0  }
0x19: {  	s7 =	sld [smem:$0x3F9F]  }
0x1a: {  	s8 =	sadd.s32 $0xFFFFE003, lr  }
0x1b: {  	s9 =	sadd.s32 $0xFFFFFEF7, lr;
	s5 =	simm.s32 $0xFFFFFFFF;
	p2 =	slt.u32 s8, $0xFFFFF086  }
0x1c: {  	p1 =	slt.u32 s9, $0xF7A;
	s5 =	simm.s32 @!p2 $0x0  }
0x1d: {  	s5 =	simm.s32 @p1 $0x1;
	p0 =	seq.s32 s7, s2  }
0x1e: {  	s7 =	smul.u32 @!p0 $0xF7A, s2;
	p2 =	seq.s32 @!p0 s5, $0x0  }
0x1f: {  	s9 =	smul.u32 $0xF7A, s1;
	s8 =	simm.s32 @!p0 $0x1BF5;
	p2 =	por !p2, p0  }
0x20: {  	[sflag:s8] =	ssyncset.s32 @!p0 $0xFFFFF086;
	s6 =	sadd.s32 @!p0 s3, s7;
	s7 =	simm.s32 @!p0 $0x108  }
0x21: {  	s3 =	sadd.s32 s3, s9;
	s6 =	sadd.s32 @!p0 $0x88, s6;
	s7 =	simm.s32 @p2 $0x1082  }
0x22: {  	[simem:s7], [sflag:s8] =	dma.local @!p0 [hbm:s6], $0xF7A  }
0x23: {  	s9 =	sor.u32 $0xD0000000, s2;
	s6 =	simm.s32 $0x108;
	_ =	swait.ge @!p0 [sflag:s8], $0x0  }
0x24: {  	s3 =	sadd.s32 $0x88, s3;
	s6 =	simm.s32 @!p1 $0x1082;
	[sflag:s4] =	ssyncset.s32 $0xFFFFF086  }
0x25: {  	[simem:s6], [sflag:s4] =	dma.local [hbm:s3], $0xF7A  }
0x26: {  	[smem:$0x3F9F] =	sst s1;
	(tag) =	ssettag s2;
	_ =	strace s9  }
0x27: {  	s1 =	sld [smem:$0x3FAF]  }
0x28: {  	s2 =	sld [smem:$0x3FB0]  }
0x29: {  	s4 =	sld [smem:$0x3FB2]  }
0x2a: {  	p0 =	seq.s32 s5, $0x0;
	s5 =	sld [smem:$0x3FB3]  }
0x2b: {  	s6 =	sld [smem:$0x3FB4]  }
0x2c: {  	s7 =	sld [smem:$0x3FB5]  }
0x2d: {  	s3 =	simm.s32 $0x108;
	s8 =	sld [smem:$0x3FB6]  }
0x2e: {  	s3 =	simm.s32 @!p0 $0x1082;
	s9 =	sld [smem:$0x3FB7]  }
0x2f: {  	lr =	sadd.s32 s0, s3;
	s0 =	sld [smem:$0x3FAE]  }
0x30: {  	s3 =	sld [smem:$0x3FB1]  }
0x31: {  	[smem:$0x3FBA] =	sst s10  }
0x32: {  	s10 =	sld [smem:$0x3FB8];
	_ =	sdelay $0x3  }
0x33: {  	p0 =	seq.s32 s10, $0x1;
	s10 =	sld [smem:$0x3FBA];
	_ =	sdelay $0x3  }
0x34: {  	[smem:$0x3FBA] =	sst s10  }
0x35: {  	s10 =	sld [smem:$0x3FB9];
	_ =	sdelay $0x3  }
0x36: {  	p1 =	seq.s32 s10, $0x1;
	s10 =	sld [smem:$0x3FBA];
	_ =	sdelay $0x3  }
0x37: {  	[smem:$0x3FBA] =	sst s10  }
0x38: {  	s10 =	sld [smem:$0x3FBB]  }
0x39: {  	_ = 	snop;
	(pc) =	sbr.ind lr, $3  }
0x3a: {  	_ = 	snop  }
0x3b: {  	_ = 	snop  }
0x3c: {  	p2 =	seq.s32 s10, $0x1;
	s10 =	sld [smem:$0x3FBA]  }
0x3d: {  	_ =	shalt  }
0x3e: {  	_ =	shalt  }
0x3f: {  	_ =	shalt  }
0x40: {  	_ =	shalt  }
0x41: {  	_ =	shalt  }
0x42: {  	_ =	shalt  }
0x43: {  	_ =	shalt  }
0x44: {  	_ =	shalt  }
0x45: {  	_ =	shalt  }
0x46: {  	_ =	shalt  }
0x47: {  	_ =	shalt  }
0x48: {  	_ =	shalt  }
0x49: {  	_ =	shalt  }
0x4a: {  	_ =	shalt  }
0x4b: {  	_ =	shalt  }
0x4c: {  	_ =	shalt  }
0x4d: {  	_ =	shalt  }
0x4e: {  	_ =	shalt  }
0x4f: {  	_ =	shalt  }
0x50: {  	_ =	shalt  }
0x51: {  	_ =	shalt  }
0x52: {  	_ =	shalt  }
0x53: {  	_ =	shalt  }
0x54: {  	_ =	shalt  }
0x55: {  	_ =	shalt  }
0x56: {  	_ =	shalt  }
0x57: {  	_ =	shalt  }
0x58: {  	_ =	shalt  }
0x59: {  	_ =	shalt  }
0x5a: {  	_ =	shalt  }
0x5b: {  	_ =	shalt  }
0x5c: {  	_ =	shalt  }
0x5d: {  	_ =	shalt  }
0x5e: {  	_ =	shalt  }
0x5f: {  	_ =	shalt  }
0x60: {  	_ =	shalt  }
0x61: {  	_ =	shalt  }
0x62: {  	_ =	shalt  }
0x63: {  	_ =	shalt  }
0x64: {  	_ =	shalt  }
0x65: {  	_ =	shalt  }
0x66: {  	_ =	shalt  }
0x67: {  	_ =	shalt  }
0x68: {  	_ =	shalt  }
0x69: {  	_ =	shalt  }
0x6a: {  	_ =	shalt  }
0x6b: {  	_ =	shalt  }
0x6c: {  	_ =	shalt  }
0x6d: {  	_ =	shalt  }
0x6e: {  	_ =	shalt  }
0x6f: {  	_ =	shalt  }
0x70: {  	_ =	shalt  }
0x71: {  	_ =	shalt  }
0x72: {  	_ =	shalt  }
0x73: {  	_ =	shalt  }
0x74: {  	_ =	shalt  }
0x75: {  	_ =	shalt  }
0x76: {  	_ =	shalt  }
0x77: {  	_ =	shalt  }
0x78: {  	_ =	shalt  }
0x79: {  	_ =	shalt  }
0x7a: {  	_ =	shalt  }
0x7b: {  	_ =	shalt  }
0x7c: {  	_ =	shalt  }
0x7d: {  	_ =	shalt  }
0x7e: {  	_ =	shalt  }
0x7f: {  	_ =	shalt  }
0x80: {  	_ =	shalt  }
0x81: {  	_ =	shalt  }
0x82: {  	_ =	shalt  }
0x83: {  	_ =	shalt  }
0x84: {  	_ =	shalt  }
0x85: {  	_ =	shalt  }
0x86: {  	_ =	shalt  }
0x87: {  	_ =	shalt  }
.Lfunc_end0:
.L_simem_size_0:
called_computation_lowered:
.L_overlay_start_0:
0x88: {  	s2 =	sld [smem:$0x3FD9]  }
0x89: {  	s3 =	sld [smem:$0x3FFE];
	_ =	sdelay $0x1  }
0x8a: {  	s1 =	srdreg.scid  }
0x8b: {  	s0 =	sand.u32 $0x1, s1  }
0x8c: {  	s18 =	sshll.u32 s0, $0xA;
	s2 =	sadd.s32 s3, s2  }
0x8d: {  	s2 =	sadd.s32 s2, s18  }
0x8e: {  	[smem:$0x3FC6] =	sst s2  }
0x8f: {  	_ = 	snop  }
0x90: {  	s2 =	sld [smem:$0x3FC9]  }
0x91: {  	s19 =	sld [smem:$0x3FC8]  }
0x92: {  	s4 =	sld [smem:$0x3FD0];
	(tm) =	ssettm $0x1  }
0x93: {  	s5 =	sld [smem:$0x3FFB];
	_ =	sdelay $0x3  }
0x94: {  	_ =	strace s5  }
0x95: {  	s5 =	sld [smem:$0x3FFC];
	_ =	sdelay $0x3  }
0x96: {  	_ =	strace s5  }
0x97: {  	s5 =	sld [smem:$0x3FFD];
	_ =	sdelay $0x3  }
0x98: {  	_ =	strace s5  }
0x99: {  	_ =	strace $0x8FFFFFFF  }
0x9a: {  	s20 =	sld [smem:$0x3FDB];
	_ =	sdelay $0x1  }
0x9b: {  	s6 =	simm.s32 $_scs_section_size  }
0x9c: {  	s7 =	simm.s32 $_size__tile_overlayer_lowered;
	s8 =	simm.s32 $_tile_overlayer_lowered  }
0x9d: {  	s23 =	simm.s32 $0x1BFF;
	s22 =	sshll.u32 s8, $0x1;
	s5 =	sadd.s32 s6, s20  }
0x9e: {  	s9 =	simm.s32 $0x0;
	s21 =	sshll.u32 s7, $0x1;
	s7 =	sadd.s32 s22, s5  }
0x9f: {  	[timem:s9], [sflag:s23] =	dma.local [hbm:s7], s21  }
0xa0: {  	_ =	swait.ge [sflag:s23], s21  }
0xa1: {  	s6 =	ssub.s32 $0x0, s21;
	[sflag:s23] =	ssyncset.done $0x0  }
0xa2: {  	[sflag:s23] =	ssyncadd.s32 s6;
	_ =	sdelay $0x1  }
0xa3: {  	s24 =	simm.s32 $0x1B8B  }
0xa4: {  	_ =	swait.ge [sflag:s24], $0x1  }
0xa5: {  	[sflag:s24] =	ssyncset.done $0x0  }
0xa6: {  	s25 =	simm.s32 $0x1B8E;
	[sflag:s24] =	ssyncadd.s32 $0xFFFFFFFF  }
0xa7: {  	s26 =	simm.s32 $execute0_lowered;
	[smem:$0x3FD2] =	sst s25  }
0xa8: {  	s6 =	sshll.u32 s26, $0x1;
	_ =	strace $0x80000046;
	[dreg:$0x1] =	wrdreg $0xFFFFFFFF  }
0xa9: {  	s28 =	simm.s32 $_size_execute0_lowered;
	s5 =	sadd.s32 s5, s6;
	[dreg:$0x0] =	wrdreg $0x0  }
0xaa: {  	s6 =	sshll.u32 s28, $0x1;
	[dreg:$0x2] =	wrdreg s5  }
0xab: {  	[dreg:$0x3] =	wrdreg s6  }
0xac: {  	[dreg:$0x4] =	wrdreg $0xC0  }
0xad: {  	_ =	task [dreg:s9], $0x5FFFF  }
0xae: {  	[dreg:$0x1] =	wrdreg $0xFFFFFFFF  }
0xaf: {  	[dreg:$0x0] =	wrdreg $0x60  }
0xb0: {  	[dreg:$0x2] =	wrdreg s2  }
0xb1: {  	[dreg:$0x3] =	wrdreg s19  }
0xb2: {  	[dreg:$0x4] =	wrdreg s4  }
0xb3: {  	[dreg:$0x5] =	wrdreg $0x9  }
0xb4: {  	_ =	task.clear_ibuf [dreg:s9], $0x6FFFF;
	_ =	strace $0x90000046  }
0xb5: {  	s29 =	simm.s32 $0x9;
	_ =	strace $0x80000048  }
0xb6: {  	_ =	swait.ge [sflag:s29], $0x1  }
0xb7: {  	[sflag:s29] =	ssyncadd.s32 $0xFFFFFFFF  }
0xb8: {  	_ =	strace $0x90000048  }
0xb9: {  	_ =	sfence  }
0xba: {  	s30 =	sld [smem:$0x0];
	_ =	sdelay $0x2  }
0xbb: {  	s31 =	sshll.u32 s1, $0xD;
	s1 =	sshrl.u32 s1, $0x2  }
0xbc: {  	s3 =	sand.u32 $0x4000, s31;
	s1 =	sadd.s32 s1, s30  }
0xbd: {  	s0 =	sor.u32 s3, s0;
	s1 =	sshll.u32 s1, $0x11  }
0xbe: {  	s0 =	sor.u32 s1, s0  }
0xbf: {  	s0 =	sadd.s32 $0x8F2B, s0  }
0xc0: {  	[sflag:s0] =	ssyncadd.remote.s32 $0x1  }
0xc1: {  	_ =	sfence.sel $0xFFFF  }
0xc2: {  	[dreg:$0x0] =	wrdreg $0xFFFFFFFF;
	(pc) =	sbr.abs _section_cstart, $3  }
0xc3: {  	[dreg:$0x1] =	wrdreg $0xFFFFFFFF  }
0xc4: {  	_ =	task.clear_ibuf [dreg:s9], $0x2FFFF;
	_ =	strace $0x9FFFFFFF  }
0xc5: {  	(tm) =	ssettm $0x7FFFFFFF  }
tec
execute0_lowered:
.L_overlay_start_1:
0x0: {  	(tag) =	ssettag $0x1  }
0x1: {  	s2 =	rddreg [dreg:$0x0]  }
0x2: {  	s3 =	rddreg [dreg:$0x1];
	s0 =	srdreg.scid  }
0x3: {  	s4 =	rddreg [dreg:$0x2];
	s1 =	stileid.u32  }
0x4: {  	s5 =	simm.s32 $0x0;
	s11 =	simm.s32 $0x200;
	s12 =	simm.s32 $0x400  }
0x5: {  	s13 =	simm.s32 $0x5;
	s14 =	simm.s32 $0x4400;
	s15 =	simm.s32 $0x1  }
0x6: {  	s16 =	simm.s32 $0x8400;
	s17 =	simm.s32 $0x2;
	s18 =	simm.s32 $0x4  }
0x7: {  	s19 =	simm.s32 $0xC400;
	s20 =	simm.s32 $0x3;
	s0 =	sand.u32 $0x1, s0  }
0x8: {  	s21 =	simm.s32 $0x0;
	s6 =	sshll.u32 s1, $0x8;
	s7 =	sshll.u32 s0, $0x7  }
0x9: {  	[smem:$0x7FF] =	sst s5;
	s0 =	ssub.s32 $0x2, s0;
	s7 =	sor.u32 s7, s6  }
0xa: {  	_ =	strace $0x80000047;
	s31 =	sshrl.u32 s0, $0x1;
	s10 =	sshll.u32 s7, $0x9  }
0xb: {  	s0 =	ssub.s32 s0, s31;
	s7 =	sshrl.u32 s7, $0x3;
	s6 =	sadd.s32 s2, s10  }
0xc: {  	v0 =	vimm.s32 $0x0;
	s9 =	smax.u32 s0, $0x1;
	s10 =	sor.u32 $0x40, s10;
	s8 =	sadd.s32 $0x1000, s6  }
.LBB2_1:
0xd: {  	[tilespmem:s12], [sflag:$0x1] =	stream.strided.gather [hbm4b:s6+s11], $0x4000, s12, s11, $0x38;
	[tilespmem:$0x10400] =	vst v63  }
0xe: {  	_ = 	snop  }
0xf: {  	[tilespmem:s5], [sflag:$0x5] =	stream.linear.gather [hbm4b:s3+s5], $0x400, $0x38;
	[tilespmem:$0x10400] =	vst v63  }
0x10: {  	_ =	swait.ge [sflag:s13], $0x400  }
0x11: {  	[sflag:s13] =	ssyncset.done $0x0  }
0x12: {  	s22 =	simm.s32 $0x0;
	[sflag:s13] =	ssyncadd.s32 $0xFFFFFC00  }
.LBB2_2:
0x13: {  	s24 =	sshll.u32 s22, $0xC  }
0x14: {  	s23 =	sor.u32 s10, s24  }
0x15: {  	s0 =	sadd.s32 s2, s23  }
0x16: {  	[tilespmem:s14], [sflag:$0x2] =	stream.strided.gather [hbm4b:s0+s11], $0x4000, s12, s11, $0x38;
	[tilespmem:$0x10400] =	vst v63  }
0x17: {  	_ =	swait.ge [sflag:s15], $0x4000  }
0x18: {  	p0 =	seq.s32 s22, $0x0;
	[sflag:s15] =	ssyncset.done $0x0  }
0x19: {  	s0 =	simm.s32 @!p0 $0x3;
	[sflag:s15] =	ssyncadd.s32 $0xFFFFC000  }
0x1a: {  	_ =	swait.ge @!p0 [sflag:s0], $0x4000  }
0x1b: {  	[sflag:s0] =	ssyncset.done @!p0 $0x0  }
0x1c: {  	[sflag:s0] =	ssyncadd.s32 @!p0 $0xFFFFC000;
	s0 =	simm.s32 $0x500  }
0x1d: {  	v1 =	vld [tilespmem:s0+$0xFFFFFF70];
	_ =	sdelay $0x4  }
0x1e: {  	v2 =	vmul.f32 $5.115000000e+02, v1;
	_ =	sdelay $0x1  }
0x1f: {  	v2 =	vadd.f32 $5.120000000e+02, v2;
	_ =	sdelay $0x1  }
0x20: {  	v2 =	vmax.f32 v2, $0.0e+00  }
0x21: {  	v2 =	vmin.f32 v2, $1.023500000e+03  }
0x22: {  	v2 =	vtrunc.f32 v2  }
0x23: {  	v2 =	vcvt.f32.s32 v2  }
0x24: {  	v3 =	vld [tilespmem:s0+$0xFFFFFF10]  }
0x25: {  	v4 =	vld [tilespmem:s0+$0xFFFFFF20]  }
0x26: {  	v5 =	vld [tilespmem:s0+$0xFFFFFF30]  }
0x27: {  	v6 =	vld [tilespmem:s0+$0xFFFFFF40]  }
0x28: {  	v12 =	vld [tilespmem:s0+$0xFFFFFF60]  }
0x29: {  	v8 =	vld.idx.msk [tilespmem:v2+s5+$0x0], $0xffff  }
0x2a: {  	v9 =	vld [tilespmem:s0+$0xFFFFFF00]  }
0x2b: {  	v10 =	vmul.f32 $5.115000000e+02, v3  }
0x2c: {  	v11 =	vmul.f32 $5.115000000e+02, v4;
	v13 =	vmul.f32 $5.115000000e+02, v5  }
0x2d: {  	v14 =	vmul.f32 $5.115000000e+02, v6;
	v16 =	vmul.f32 $5.115000000e+02, v12  }
0x2e: {  	v10 =	vadd.f32 $5.120000000e+02, v10;
	v13 =	vadd.f32 $5.120000000e+02, v13;
	vm0 =	vlt.f32 v8, v1  }
0x2f: {  	v7 =	vld [tilespmem:s0+$0xFFFFFF50];
	v14 =	vadd.f32 $5.120000000e+02, v14;
	v8 =	vmul.f32 $5.115000000e+02, v9;
	v15 =	vsel vm0, $0x1, v0  }
0x30: {  	s25 =	simm.s32 $0x8500;
	v11 =	vadd.f32 $5.120000000e+02, v11;
	v10 =	vmax.f32 v10, $0.0e+00;
	v2 =	vadd.s32 v15, v2  }
0x31: {  	v13 =	vmax.f32 v13, $0.0e+00;
	v14 =	vmax.f32 v14, $0.0e+00;
	v8 =	vadd.f32 $5.120000000e+02, v8;
	[tilespmem:s25+$0xFFFFFF70] =	vst v2  }
0x32: {  	v10 =	vmin.f32 v10, $1.023500000e+03;
	v13 =	vmin.f32 v13, $1.023500000e+03;
	v14 =	vmin.f32 v14, $1.023500000e+03;
	v15 =	vld [tilespmem:s0+$0xFFFFFFF0]  }
0x33: {  	v10 =	vtrunc.f32 v10;
	v13 =	vtrunc.f32 v13;
	v8 =	vmax.f32 v8, $0.0e+00  }
0x34: {  	v14 =	vtrunc.f32 v14;
	v1 =	vmul.f32 $5.115000000e+02, v7;
	v8 =	vmin.f32 v8, $1.023500000e+03  }
0x35: {  	v10 =	vcvt.f32.s32 v10;
	v2 =	vmax.f32 v11, $0.0e+00;
	v8 =	vtrunc.f32 v8  }
0x36: {  	v1 =	vadd.f32 $5.120000000e+02, v1;
	v2 =	vmin.f32 v2, $1.023500000e+03;
	v8 =	vcvt.f32.s32 v8  }
0x37: {  	v11 =	vadd.f32 $5.120000000e+02, v16;
	v2 =	vtrunc.f32 v2;
	v16 =	vmul.f32 $5.115000000e+02, v15  }
0x38: {  	v13 =	vcvt.f32.s32 v13;
	v1 =	vmax.f32 v1, $0.0e+00;
	v2 =	vcvt.f32.s32 v2  }
0x39: {  	v11 =	vmax.f32 v11, $0.0e+00;
	v1 =	vmin.f32 v1, $1.023500000e+03;
	v16 =	vadd.f32 $5.120000000e+02, v16  }
0x3a: {  	v14 =	vcvt.f32.s32 v14;
	v11 =	vmin.f32 v11, $1.023500000e+03;
	v1 =	vtrunc.f32 v1  }
0x3b: {  	v11 =	vtrunc.f32 v11;
	v1 =	vcvt.f32.s32 v1;
	v16 =	vmax.f32 v16, $0.0e+00  }
0x3c: {  	v11 =	vcvt.f32.s32 v11;
	v17 =	vld.idx.msk [tilespmem:v8+s5+$0x0], $0xffff;
	v16 =	vmin.f32 v16, $1.023500000e+03  }
0x3d: {  	v18 =	vld.idx.msk [tilespmem:v10+s5+$0x0], $0xffff;
	v16 =	vtrunc.f32 v16  }
0x3e: {  	v19 =	vld.idx.msk [tilespmem:v2+s5+$0x0], $0xffff;
	v16 =	vcvt.f32.s32 v16  }
0x3f: {  	v20 =	vld.idx.msk [tilespmem:v13+s5+$0x0], $0xffff  }
0x40: {  	v21 =	vld.idx.msk [tilespmem:v14+s5+$0x0], $0xffff  }
0x41: {  	v22 =	vld.idx.msk [tilespmem:v1+s5+$0x0], $0xffff;
	vm0 =	vlt.f32 v17, v9  }
0x42: {  	v9 =	vld.idx.msk [tilespmem:v11+s5+$0x0], $0xffff;
	v17 =	vsel vm0, $0x1, v0;
	vm0 =	vlt.f32 v18, v3  }
0x43: {  	v3 =	vsel vm0, $0x1, v0;
	vm0 =	vlt.f32 v19, v4;
	v4 =	vadd.s32 v17, v8  }
0x44: {  	v8 =	vsel vm0, $0x1, v0;
	vm0 =	vlt.f32 v20, v5;
	[tilespmem:s25+$0xFFFFFF00] =	vst v4;
	v3 =	vadd.s32 v3, v10;
	v4 =	vld.idx.msk [tilespmem:v16+s5+$0x0], $0xffff  }
0x45: {  	v5 =	vsel vm0, $0x1, v0;
	vm0 =	vlt.f32 v21, v6;
	v2 =	vadd.s32 v8, v2;
	v6 =	vld [tilespmem:s0+$0xFFFFFF80];
	[tilespmem:s25+$0xFFFFFF10] =	vst v3  }
0x46: {  	v3 =	vsel vm0, $0x1, v0;
	vm0 =	vlt.f32 v22, v7;
	v5 =	vadd.s32 v5, v13;
	v7 =	vld [tilespmem:s0+$0xFFFFFF90];
	[tilespmem:s25+$0xFFFFFF20] =	vst v2  }
0x47: {  	v2 =	vsel vm0, $0x1, v0;
	vm0 =	vlt.f32 v9, v12;
	v3 =	vadd.s32 v3, v14;
	v8 =	vld [tilespmem:s0+$0xFFFFFFA0];
	[tilespmem:s25+$0xFFFFFF30] =	vst v5  }
0x48: {  	v5 =	vsel vm0, $0x1, v0;
	v1 =	vadd.s32 v2, v1;
	[tilespmem:s25+$0xFFFFFF40] =	vst v3;
	v2 =	vld [tilespmem:s0+$0xFFFFFFB0]  }
0x49: {  	v3 =	vadd.s32 v5, v11;
	[tilespmem:s25+$0xFFFFFF50] =	vst v1;
	v1 =	vld [tilespmem:s0+$0xFFFFFFC0]  }
0x4a: {  	vm0 =	vlt.f32 v4, v15;
	[tilespmem:s25+$0xFFFFFF60] =	vst v3;
	v3 =	vld [tilespmem:s0+$0xFFFFFFD0]  }
0x4b: {  	v4 =	vmul.f32 $5.115000000e+02, v6;
	v5 =	vsel vm0, $0x1, v0;
	v9 =	vmul.f32 $5.115000000e+02, v7  }
0x4c: {  	v5 =	vadd.s32 v5, v16;
	v11 =	vmul.f32 $5.115000000e+02, v8  }
0x4d: {  	v4 =	vadd.f32 $5.120000000e+02, v4;
	[tilespmem:s25+$0xFFFFFFF0] =	vst v5;
	v5 =	vadd.f32 $5.120000000e+02, v9;
	v9 =	vmul.f32 $5.115000000e+02, v2  }
0x4e: {  	v11 =	vadd.f32 $5.120000000e+02, v11;
	v13 =	vmul.f32 $5.115000000e+02, v1  }
0x4f: {  	v12 =	vld [tilespmem:s0+$0x70];
	v4 =	vmax.f32 v4, $0.0e+00;
	v9 =	vadd.f32 $5.120000000e+02, v9;
	v14 =	vmul.f32 $5.115000000e+02, v3  }
0x50: {  	v5 =	vmax.f32 v5, $0.0e+00;
	v4 =	vmin.f32 v4, $1.023500000e+03;
	v13 =	vadd.f32 $5.120000000e+02, v13  }
0x51: {  	v11 =	vmax.f32 v11, $0.0e+00;
	v5 =	vmin.f32 v5, $1.023500000e+03;
	v4 =	vtrunc.f32 v4  }
0x52: {  	v10 =	vld [tilespmem:s0+$0xFFFFFFE0];
	v9 =	vmax.f32 v9, $0.0e+00;
	v11 =	vmin.f32 v11, $1.023500000e+03;
	v5 =	vtrunc.f32 v5  }
0x53: {  	v14 =	vadd.f32 $5.120000000e+02, v14;
	v4 =	vcvt.f32.s32 v4;
	v11 =	vtrunc.f32 v11  }
0x54: {  	v9 =	vmin.f32 v9, $1.023500000e+03;
	v5 =	vcvt.f32.s32 v5;
	v16 =	vmul.f32 $5.115000000e+02, v12  }
0x55: {  	s30 =	simm.s32 $0x700;
	v13 =	vmax.f32 v13, $0.0e+00;
	v9 =	vtrunc.f32 v9;
	v11 =	vcvt.f32.s32 v11  }
0x56: {  	v23 =	vld [tilespmem:s30+$0xFFFFFF50];
	v13 =	vmin.f32 v13, $1.023500000e+03;
	v9 =	vcvt.f32.s32 v9;
	v16 =	vadd.f32 $5.120000000e+02, v16  }
0x57: {  	v25 =	vld [tilespmem:s30+$0xFFFFFF00];
	v15 =	vmul.f32 $5.115000000e+02, v10;
	v14 =	vmax.f32 v14, $0.0e+00;
	v13 =	vtrunc.f32 v13  }
0x58: {  	v26 =	vld [tilespmem:s30+$0xFFFFFF60];
	v14 =	vmin.f32 v14, $1.023500000e+03;
	v13 =	vcvt.f32.s32 v13;
	v16 =	vmax.f32 v16, $0.0e+00  }
0x59: {  	v15 =	vadd.f32 $5.120000000e+02, v15;
	v14 =	vtrunc.f32 v14;
	v17 =	vld.idx.msk [tilespmem:v4+s5+$0x0], $0xffff;
	v16 =	vmin.f32 v16, $1.023500000e+03  }
0x5a: {  	v14 =	vcvt.f32.s32 v14;
	v18 =	vld.idx.msk [tilespmem:v5+s5+$0x0], $0xffff;
	v16 =	vtrunc.f32 v16  }
0x5b: {  	v15 =	vmax.f32 v15, $0.0e+00;
	v19 =	vld.idx.msk [tilespmem:v11+s5+$0x0], $0xffff;
	v16 =	vcvt.f32.s32 v16  }
0x5c: {  	v30 =	vmul.f32 $5.115000000e+02, v23;
	v15 =	vmin.f32 v15, $1.023500000e+03;
	v20 =	vld.idx.msk [tilespmem:v9+s5+$0x0], $0xffff  }
0x5d: {  	v31 =	vmul.f32 $5.115000000e+02, v25;
	v15 =	vtrunc.f32 v15  }
0x5e: {  	v32 =	vmul.f32 $5.115000000e+02, v26;
	v15 =	vcvt.f32.s32 v15;
	v22 =	vld.idx.msk [tilespmem:v13+s5+$0x0], $0xffff;
	vm0 =	vlt.f32 v17, v6  }
0x5f: {  	v30 =	vadd.f32 $5.120000000e+02, v30;
	v6 =	vsel vm0, $0x1, v0;
	vm0 =	vlt.f32 v18, v7  }
0x60: {  	v17 =	vld.idx.msk [tilespmem:v14+s5+$0x0], $0xffff;
	v4 =	vadd.s32 v6, v4;
	v6 =	vsel vm0, $0x1, v0;
	vm0 =	vlt.f32 v19, v8  }
0x61: {  	[tilespmem:s25+$0xFFFFFF80] =	vst v4;
	v4 =	vadd.s32 v6, v5;
	v6 =	vsel vm0, $0x1, v0;
	vm0 =	vlt.f32 v20, v2;
	v21 =	vld.idx.msk [tilespmem:v16+s5+$0x0], $0xffff  }
0x62: {  	v31 =	vadd.f32 $5.120000000e+02, v31;
	v5 =	vld [tilespmem:s0+$0x0];
	[tilespmem:s25+$0xFFFFFF90] =	vst v4;
	v2 =	vadd.s32 v6, v11;
	v4 =	vsel vm0, $0x1, v0  }
0x63: {  	v32 =	vadd.f32 $5.120000000e+02, v32;
	vm1 =	vlt.f32 v22, v1;
	v22 =	vld [tilespmem:s30+$0xFFFFFF40];
	[tilespmem:s25+$0xFFFFFFA0] =	vst v2;
	v2 =	vadd.s32 v4, v9  }
0x64: {  	v30 =	vmax.f32 v30, $0.0e+00;
	v31 =	vmax.f32 v31, $0.0e+00;
	v18 =	vld.idx.msk [tilespmem:v15+s5+$0x0], $0xffff;
	[tilespmem:s25+$0xFFFFFFB0] =	vst v2;
	v2 =	vsel vm1, $0x1, v0  }
0x65: {  	v32 =	vmax.f32 v32, $0.0e+00;
	v31 =	vmin.f32 v31, $1.023500000e+03;
	v6 =	vld [tilespmem:s0+$0x10];
	v2 =	vadd.s32 v2, v13  }
0x66: {  	v30 =	vmin.f32 v30, $1.023500000e+03;
	v32 =	vmin.f32 v32, $1.023500000e+03;
	v31 =	vtrunc.f32 v31;
	v7 =	vld [tilespmem:s0+$0x20];
	[tilespmem:s25+$0xFFFFFFC0] =	vst v2  }
0x67: {  	v30 =	vtrunc.f32 v30;
	vm0 =	vlt.f32 v21, v12;
	v9 =	vmul.f32 $5.115000000e+02, v5;
	v2 =	vld [tilespmem:s0+$0x40]  }
0x68: {  	v21 =	vld [tilespmem:s30+$0xFFFFFF20];
	v29 =	vmul.f32 $5.115000000e+02, v22;
	v1 =	vsel vm0, $0x1, v0;
	vm0 =	vlt.f32 v17, v3  }
0x69: {  	v3 =	vadd.s32 v1, v16;
	v1 =	vld [tilespmem:s0+$0x30];
	v4 =	vsel vm0, $0x1, v0;
	vm0 =	vlt.f32 v18, v10  }
0x6a: {  	v10 =	vmul.f32 $5.115000000e+02, v6;
	[tilespmem:s25+$0x70] =	vst v3;
	v3 =	vadd.s32 v4, v14;
	v4 =	vsel vm0, $0x1, v0;
	v14 =	vld [tilespmem:s30+$0xFFFFFF70]  }
0x6b: {  	v11 =	vmul.f32 $5.115000000e+02, v7;
	v29 =	vadd.f32 $5.120000000e+02, v29;
	v8 =	vld [tilespmem:s0+$0xF0];
	[tilespmem:s25+$0xFFFFFFD0] =	vst v3;
	v4 =	vadd.s32 v4, v15  }
0x6c: {  	v31 =	vcvt.f32.s32 v31;
	v30 =	vcvt.f32.s32 v30;
	v10 =	vadd.f32 $5.120000000e+02, v10;
	v3 =	vld [tilespmem:s0+$0x50];
	[tilespmem:s25+$0xFFFFFFE0] =	vst v4  }
0x6d: {  	v11 =	vadd.f32 $5.120000000e+02, v11;
	v29 =	vmax.f32 v29, $0.0e+00;
	v4 =	vadd.f32 $5.120000000e+02, v9;
	v9 =	vld [tilespmem:s0+$0x60]  }
0x6e: {  	v15 =	vmul.f32 $5.115000000e+02, v2;
	v27 =	vmul.f32 $5.115000000e+02, v21;
	v29 =	vmin.f32 v29, $1.023500000e+03  }
0x6f: {  	v10 =	vmax.f32 v10, $0.0e+00;
	v29 =	vtrunc.f32 v29;
	v19 =	vmul.f32 $5.115000000e+02, v14  }
0x70: {  	v11 =	vmax.f32 v11, $0.0e+00;
	v12 =	vmul.f32 $5.115000000e+02, v1;
	v13 =	vmul.f32 $5.115000000e+02, v8  }
0x71: {  	v4 =	vmax.f32 v4, $0.0e+00;
	v16 =	vmul.f32 $5.115000000e+02, v3;
	v19 =	vadd.f32 $5.120000000e+02, v19  }
0x72: {  	v15 =	vadd.f32 $5.120000000e+02, v15;
	v13 =	vadd.f32 $5.120000000e+02, v13;
	v17 =	vmul.f32 $5.115000000e+02, v9  }
0x73: {  	v18 =	vmin.f32 v4, $1.023500000e+03;
	v4 =	vadd.f32 $5.120000000e+02, v16;
	v19 =	vmax.f32 v19, $0.0e+00  }
0x74: {  	v13 =	vmax.f32 v13, $0.0e+00;
	v16 =	vadd.f32 $5.120000000e+02, v17;
	v17 =	vld [tilespmem:s30+$0xFFFFFF10];
	v19 =	vmin.f32 v19, $1.023500000e+03  }
0x75: {  	v10 =	vmin.f32 v10, $1.023500000e+03;
	v13 =	vmin.f32 v13, $1.023500000e+03;
	v19 =	vtrunc.f32 v19  }
0x76: {  	v20 =	vmax.f32 v4, $0.0e+00;
	v4 =	vtrunc.f32 v13;
	v13 =	vld [tilespmem:s30+$0xFFFFFF30];
	v19 =	vcvt.f32.s32 v19  }
0x77: {  	v11 =	vmin.f32 v11, $1.023500000e+03;
	v27 =	vadd.f32 $5.120000000e+02, v27;
	v29 =	vcvt.f32.s32 v29  }
0x78: {  	v10 =	vtrunc.f32 v10;
	v11 =	vtrunc.f32 v11;
	v12 =	vadd.f32 $5.120000000e+02, v12  }
0x79: {  	v15 =	vmax.f32 v15, $0.0e+00;
	v10 =	vcvt.f32.s32 v10;
	v24 =	vmul.f32 $5.115000000e+02, v17  }
0x7a: {  	v18 =	vtrunc.f32 v18;
	v27 =	vmax.f32 v27, $0.0e+00;
	v4 =	vcvt.f32.s32 v4  }
0x7b: {  	v18 =	vcvt.f32.s32 v18;
	v24 =	vadd.f32 $5.120000000e+02, v24;
	v28 =	vmul.f32 $5.115000000e+02, v13  }
0x7c: {  	v11 =	vcvt.f32.s32 v11;
	v15 =	vmin.f32 v15, $1.023500000e+03;
	v27 =	vmin.f32 v27, $1.023500000e+03;
	v33 =	vld.idx.msk [tilespmem:v19+s5+$0x0], $0xffff  }
0x7d: {  	s28 =	simm.s32 $0x900;
	v27 =	vtrunc.f32 v27;
	v28 =	vadd.f32 $5.120000000e+02, v28;
	v24 =	vmax.f32 v24, $0.0e+00  }
0x7e: {  	v41 =	vld [tilespmem:s28+$0xFFFFFF50];
	v12 =	vmax.f32 v12, $0.0e+00;
	v27 =	vcvt.f32.s32 v27;
	v24 =	vmin.f32 v24, $1.023500000e+03  }
0x7f: {  	v15 =	vtrunc.f32 v15;
	v35 =	vld.idx.msk [tilespmem:v10+s5+$0x0], $0xffff;
	v28 =	vmax.f32 v28, $0.0e+00;
	v24 =	vtrunc.f32 v24  }
0x80: {  	v12 =	vmin.f32 v12, $1.023500000e+03;
	v34 =	vld.idx.msk [tilespmem:v4+s5+$0x0], $0xffff;
	v28 =	vmin.f32 v28, $1.023500000e+03;
	v24 =	vcvt.f32.s32 v24  }
0x81: {  	v15 =	vcvt.f32.s32 v15;
	vm0 =	vlt.f32 v33, v14;
	v14 =	vld.idx.msk [tilespmem:v18+s5+$0x0], $0xffff;
	v28 =	vtrunc.f32 v28  }
0x82: {  	v36 =	vld.idx.msk [tilespmem:v31+s5+$0x0], $0xffff;
	v16 =	vmax.f32 v16, $0.0e+00;
	v33 =	vsel vm0, $0x1, v0;
	v28 =	vcvt.f32.s32 v28  }
0x83: {  	s26 =	simm.s32 $0x8700;
	v12 =	vtrunc.f32 v12;
	v50 =	vld.idx.msk [tilespmem:v11+s5+$0x0], $0xffff;
	v16 =	vmin.f32 v16, $1.023500000e+03;
	v19 =	vadd.s32 v33, v19  }
0x84: {  	v12 =	vcvt.f32.s32 v12;
	v16 =	vtrunc.f32 v16;
	v37 =	vld.idx.msk [tilespmem:v27+s5+$0x0], $0xffff;
	vm1 =	vlt.f32 v35, v6;
	[tilespmem:s26+$0xFFFFFF70] =	vst v19  }
0x85: {  	vm0 =	vlt.f32 v34, v8;
	v19 =	vmin.f32 v20, $1.023500000e+03;
	v20 =	vtrunc.f32 v32;
	v51 =	vld [tilespmem:s30+$0xFFFFFFF0]  }
0x86: {  	v8 =	vsel vm0, $0x1, v0;
	v20 =	vcvt.f32.s32 v20;
	v52 =	vld.idx.msk [tilespmem:v24+s5+$0x0], $0xffff;
	vm0 =	vlt.f32 v14, v5  }
0x87: {  	v19 =	vtrunc.f32 v19;
	v6 =	vsel vm0, $0x1, v0;
	vm0 =	vlt.f32 v36, v25;
	v36 =	vld [tilespmem:s28+$0xFFFFFF10]  }
0x88: {  	v16 =	vcvt.f32.s32 v16;
	v14 =	vcvt.f32.s32 v19;
	v5 =	vld.idx.msk [tilespmem:v28+s5+$0x0], $0xffff  }
0x89: {  	vm2 =	vlt.f32 v50, v7;
	v25 =	vsel vm0, $0x1, v0;
	vm0 =	vlt.f32 v37, v21;
	v21 =	vld.idx.msk [tilespmem:v15+s5+$0x0], $0xffff  }
0x8a: {  	v7 =	vld.idx.msk [tilespmem:v29+s5+$0x0], $0xffff;
	v33 =	vsel vm2, $0x1, v0;
	v19 =	vsel vm1, $0x1, v0;
	v53 =	vmul.f32 $5.115000000e+02, v51  }
0x8b: {  	v38 =	vld.idx.msk [tilespmem:v30+s5+$0x0], $0xffff;
	v11 =	vadd.s32 v33, v11;
	v10 =	vadd.s32 v19, v10;
	v6 =	vadd.s32 v6, v18  }
0x8c: {  	v55 =	vsel vm0, $0x1, v0;
	v18 =	vld.idx.msk [tilespmem:v20+s5+$0x0], $0xffff;
	vm1 =	vlt.f32 v52, v17;
	v19 =	vadd.f32 $5.120000000e+02, v53  }
0x8d: {  	v17 =	vld.idx.msk [tilespmem:v12+s5+$0x0], $0xffff;
	v54 =	vsel vm1, $0x1, v0;
	v42 =	vmul.f32 $5.115000000e+02, v36;
	v53 =	vmul.f32 $5.115000000e+02, v41  }
0x8e: {  	[tilespmem:s25+$0x20] =	vst v11;
	vm0 =	vlt.f32 v5, v13;
	v13 =	vld.idx.msk [tilespmem:v14+s5+$0x0], $0xffff;
	vm1 =	vlt.f32 v21, v2;
	v19 =	vmax.f32 v19, $0.0e+00  }
0x8f: {  	[tilespmem:s25+$0x0] =	vst v6;
	v5 =	vmin.f32 v19, $1.023500000e+03;
	v19 =	vsel vm0, $0x1, v0;
	vm0 =	vlt.f32 v7, v22;
	v22 =	vld.idx.msk [tilespmem:v16+s5+$0x0], $0xffff  }
0x90: {  	[tilespmem:s25+$0x10] =	vst v10;
	v2 =	vsel vm1, $0x1, v0;
	v7 =	vadd.s32 v25, v31;
	v6 =	vtrunc.f32 v5;
	v5 =	vld [tilespmem:s0+$0x80]  }
0x91: {  	v10 =	vsel vm0, $0x1, v0;
	vm0 =	vlt.f32 v38, v23;
	[tilespmem:s26+$0xFFFFFF00] =	vst v7;
	v7 =	vld [tilespmem:s0+$0xA0];
	v11 =	vcvt.f32.s32 v6  }
0x92: {  	v23 =	vsel vm0, $0x1, v0;
	v6 =	vld [tilespmem:s0+$0x90];
	vm0 =	vlt.f32 v18, v26;
	v18 =	vadd.s32 v54, v24  }
0x93: {  	v2 =	vadd.s32 v2, v15;
	v24 =	vadd.s32 v55, v27;
	v26 =	vld [tilespmem:s30+$0xFFFFFF80];
	v25 =	vsel vm0, $0x1, v0;
	[tilespmem:s26+$0xFFFFFF10] =	vst v18  }
0x94: {  	v18 =	vadd.s32 v19, v28;
	v19 =	vadd.s32 v23, v30;
	[tilespmem:s26+$0xFFFFFF20] =	vst v24;
	vm0 =	vlt.f32 v17, v1;
	v23 =	vld [tilespmem:s30+$0xFFFFFF90]  }
0x95: {  	v10 =	vadd.s32 v10, v29;
	v17 =	vld [tilespmem:s30+$0xFFFFFFA0];
	[tilespmem:s26+$0xFFFFFF30] =	vst v18;
	v1 =	vsel vm0, $0x1, v0;
	vm0 =	vlt.f32 v13, v3  }
0x96: {  	v20 =	vadd.s32 v25, v20;
	[tilespmem:s26+$0xFFFFFF50] =	vst v19;
	vm2 =	vlt.f32 v22, v9;
	v3 =	vsel vm0, $0x1, v0;
	v9 =	vld [tilespmem:s30+$0xFFFFFFB0]  }
0x97: {  	[tilespmem:s26+$0xFFFFFF40] =	vst v10;
	v1 =	vadd.s32 v1, v12;
	v19 =	vld [tilespmem:s30+$0xFFFFFFD0];
	v13 =	vsel vm2, $0x1, v0;
	v15 =	vmul.f32 $5.115000000e+02, v5  }
0x98: {  	[tilespmem:s25+$0x40] =	vst v2;
	v3 =	vadd.s32 v3, v14;
	v14 =	vld [tilespmem:s30+$0xFFFFFFC0];
	v22 =	vmul.f32 $5.115000000e+02, v7;
	v12 =	vmul.f32 $5.115000000e+02, v26  }
0x99: {  	v13 =	vadd.s32 v13, v16;
	v18 =	vmul.f32 $5.115000000e+02, v6;
	[tilespmem:s25+$0x50] =	vst v3;
	v3 =	vld [tilespmem:s0+$0xC0];
	v24 =	vadd.f32 $5.120000000e+02, v15  }
0x9a: {  	v10 =	vld.idx.msk [tilespmem:v11+s5+$0x0], $0xffff;
	v22 =	vadd.f32 $5.120000000e+02, v22;
	v16 =	vmul.f32 $5.115000000e+02, v23;
	v12 =	vadd.f32 $5.120000000e+02, v12  }
0x9b: {  	[tilespmem:s26+$0xFFFFFF60] =	vst v20;
	v2 =	vld [tilespmem:s0+$0xD0];
	v20 =	vmul.f32 $5.115000000e+02, v17;
	v18 =	vadd.f32 $5.120000000e+02, v18;
	v15 =	vmul.f32 $5.115000000e+02, v9  }
0x9c: {  	v27 =	vmul.f32 $5.115000000e+02, v19;
	v24 =	vmax.f32 v24, $0.0e+00;
	v16 =	vadd.f32 $5.120000000e+02, v16  }
0x9d: {  	v20 =	vadd.f32 $5.120000000e+02, v20;
	v18 =	vmax.f32 v18, $0.0e+00;
	v24 =	vmin.f32 v24, $1.023500000e+03  }
0x9e: {  	v15 =	vadd.f32 $5.120000000e+02, v15;
	v30 =	vmul.f32 $5.115000000e+02, v3;
	v18 =	vmin.f32 v18, $1.023500000e+03  }
0x9f: {  	v24 =	vtrunc.f32 v24;
	vm0 =	vlt.f32 v10, v51;
	v10 =	vmax.f32 v12, $0.0e+00  }
0xa0: {  	v21 =	vld [tilespmem:s30+$0xFFFFFFE0];
	v12 =	vmul.f32 $5.115000000e+02, v14;
	v16 =	vmax.f32 v16, $0.0e+00;
	v56 =	vmul.f32 $5.115000000e+02, v2  }
0xa1: {  	v61 =	vtrunc.f32 v18;
	v51 =	vadd.f32 $5.120000000e+02, v42;
	v25 =	vsel vm0, $0x1, v0  }
0xa2: {  	v42 =	vadd.f32 $5.120000000e+02, v53;
	v15 =	vmax.f32 v15, $0.0e+00;
	v11 =	vadd.s32 v25, v11  }
0xa3: {  	v10 =	vmin.f32 v10, $1.023500000e+03;
	v16 =	vmin.f32 v16, $1.023500000e+03;
	v30 =	vadd.f32 $5.120000000e+02, v30;
	[tilespmem:s26+$0xFFFFFFF0] =	vst v11  }
0xa4: {  	v12 =	vadd.f32 $5.120000000e+02, v12;
	v11 =	vmax.f32 v20, $0.0e+00;
	v20 =	vadd.f32 $5.120000000e+02, v27;
	v27 =	vld [tilespmem:s30+$0x70]  }
0xa5: {  	v25 =	vmul.f32 $5.115000000e+02, v21;
	v28 =	vmin.f32 v15, $1.023500000e+03;
	v10 =	vtrunc.f32 v10  }
0xa6: {  	v16 =	vtrunc.f32 v16;
	v32 =	vadd.f32 $5.120000000e+02, v56;
	v34 =	vmax.f32 v51, $0.0e+00  }
0xa7: {  	v28 =	vtrunc.f32 v28;
	v10 =	vcvt.f32.s32 v10;
	v11 =	vmin.f32 v11, $1.023500000e+03  }
0xa8: {  	v42 =	vmax.f32 v42, $0.0e+00;
	v16 =	vcvt.f32.s32 v16;
	v11 =	vtrunc.f32 v11  }
0xa9: {  	[tilespmem:s25+$0x30] =	vst v1;
	v25 =	vadd.f32 $5.120000000e+02, v25;
	v11 =	vcvt.f32.s32 v11;
	v1 =	vmul.f32 $5.115000000e+02, v27  }
0xaa: {  	v12 =	vmax.f32 v12, $0.0e+00;
	v28 =	vcvt.f32.s32 v28;
	v20 =	vmax.f32 v20, $0.0e+00  }
0xab: {  	v12 =	vmin.f32 v12, $1.023500000e+03;
	v15 =	vmax.f32 v25, $0.0e+00;
	v29 =	vadd.f32 $5.120000000e+02, v1  }
0xac: {  	v20 =	vmin.f32 v20, $1.023500000e+03;
	v12 =	vtrunc.f32 v12;
	v25 =	vmin.f32 v15, $1.023500000e+03;
	v15 =	vld [tilespmem:s0+$0xB0]  }
0xad: {  	[tilespmem:s25+$0x60] =	vst v13;
	v20 =	vtrunc.f32 v20;
	v13 =	vtrunc.f32 v25;
	v31 =	vld.idx.msk [tilespmem:v10+s5+$0x0], $0xffff;
	v25 =	vmax.f32 v29, $0.0e+00  }
0xae: {  	v13 =	vcvt.f32.s32 v13;
	v58 =	vld.idx.msk [tilespmem:v16+s5+$0x0], $0xffff;
	v29 =	vcvt.f32.s32 v12;
	v12 =	vmin.f32 v25, $1.023500000e+03  }
0xaf: {  	v34 =	vmin.f32 v34, $1.023500000e+03;
	v59 =	vld.idx.msk [tilespmem:v11+s5+$0x0], $0xffff;
	v25 =	vcvt.f32.s32 v20;
	v12 =	vtrunc.f32 v12  }
0xb0: {  	v18 =	vmax.f32 v30, $0.0e+00;
	v34 =	vtrunc.f32 v34;
	v1 =	vld [tilespmem:s0+$0xE0];
	v12 =	vcvt.f32.s32 v12  }
0xb1: {  	v42 =	vmin.f32 v42, $1.023500000e+03;
	v44 =	vmin.f32 v18, $1.023500000e+03;
	v55 =	vcvt.f32.s32 v34;
	v60 =	vld.idx.msk [tilespmem:v28+s5+$0x0], $0xffff  }
0xb2: {  	v20 =	vmax.f32 v22, $0.0e+00;
	v22 =	vmul.f32 $5.115000000e+02, v15;
	vm0 =	vlt.f32 v31, v26  }
0xb3: {  	v38 =	vld [tilespmem:s28+$0xFFFFFF20];
	v18 =	vsel vm0, $0x1, v0;
	vm0 =	vlt.f32 v58, v23;
	v23 =	vcvt.f32.s32 v61  }
0xb4: {  	v10 =	vadd.s32 v18, v10;
	v18 =	vsel vm0, $0x1, v0;
	vm0 =	vlt.f32 v59, v17;
	v17 =	vld.idx.msk [tilespmem:v13+s5+$0x0], $0xffff  }
0xb5: {  	v20 =	vmin.f32 v20, $1.023500000e+03;
	v57 =	vmul.f32 $5.115000000e+02, v1;
	[tilespmem:s26+$0xFFFFFF80] =	vst v10;
	v10 =	vadd.s32 v18, v16;
	v26 =	vld.idx.msk [tilespmem:v25+s5+$0x0], $0xffff  }
0xb6: {  	v22 =	vadd.f32 $5.120000000e+02, v22;
	v16 =	vsel vm0, $0x1, v0;
	vm0 =	vlt.f32 v60, v9;
	[tilespmem:s26+$0xFFFFFF90] =	vst v10;
	v62 =	vld.idx.msk [tilespmem:v12+s5+$0x0], $0xffff  }
0xb7: {  	v31 =	vtrunc.f32 v20;
	v9 =	vadd.s32 v16, v11;
	v10 =	vsel vm0, $0x1, v0;
	v18 =	vld [tilespmem:s30+$0x10]  }
0xb8: {  	v33 =	vadd.f32 $5.120000000e+02, v57;
	v22 =	vmax.f32 v22, $0.0e+00;
	v39 =	vld.idx.msk [tilespmem:v29+s5+$0x0], $0xffff;
	[tilespmem:s26+$0xFFFFFFA0] =	vst v9;
	v9 =	vadd.s32 v10, v28  }
0xb9: {  	v57 =	vtrunc.f32 v42;
	v30 =	vmin.f32 v22, $1.023500000e+03;
	v22 =	vmax.f32 v32, $0.0e+00;
	[tilespmem:s26+$0xFFFFFFB0] =	vst v9;
	v47 =	vld.idx.msk [tilespmem:v23+s5+$0x0], $0xffff  }
0xba: {  	v63 =	vmax.f32 v33, $0.0e+00;
	v40 =	vmin.f32 v22, $1.023500000e+03;
	v11 =	vtrunc.f32 v30;
	v9 =	vld [tilespmem:s30+$0x30]  }
0xbb: {  	v22 =	vld [tilespmem:s30+$0x0];
	v32 =	vmin.f32 v63, $1.023500000e+03;
	vm1 =	vlt.f32 v26, v19;
	vm0 =	vlt.f32 v62, v27  }
0xbc: {  	v26 =	vmul.f32 $5.115000000e+02, v18;
	v19 =	vcvt.f32.s32 v24;
	v10 =	vsel vm0, $0x1, v0  }
0xbd: {  	v16 =	vsel vm1, $0x1, v0;
	vm0 =	vlt.f32 v39, v14;
	v10 =	vadd.s32 v10, v12  }
0xbe: {  	vm1 =	vlt.f32 v47, v6;
	v6 =	vmul.f32 $5.115000000e+02, v38;
	v14 =	vsel vm0, $0x1, v0;
	[tilespmem:s26+$0x70] =	vst v10  }
0xbf: {  	v27 =	vmul.f32 $5.115000000e+02, v9;
	v10 =	vadd.s32 v14, v29;
	v14 =	vadd.s32 v16, v25;
	v25 =	vld [tilespmem:s30+$0xF0]  }
0xc0: {  	v20 =	vld [tilespmem:s30+$0x20];
	v26 =	vadd.f32 $5.120000000e+02, v26;
	vm0 =	vlt.f32 v17, v21;
	v21 =	vmul.f32 $5.115000000e+02, v22  }
0xc1: {  	v6 =	vadd.f32 $5.120000000e+02, v6;
	v12 =	vtrunc.f32 v44;
	v27 =	vadd.f32 $5.120000000e+02, v27  }
0xc2: {  	v26 =	vmax.f32 v26, $0.0e+00;
	v24 =	vadd.f32 $5.120000000e+02, v21;
	v21 =	vcvt.f32.s32 v31;
	v31 =	vld [tilespmem:s28+$0xFFFFFF70]  }
0xc3: {  	v17 =	vsel vm0, $0x1, v0;
	v16 =	vtrunc.f32 v40;
	v26 =	vmin.f32 v26, $1.023500000e+03  }
0xc4: {  	v6 =	vmax.f32 v6, $0.0e+00;
	[tilespmem:s26+$0xFFFFFFD0] =	vst v14;
	v14 =	vadd.s32 v17, v13;
	v28 =	vmul.f32 $5.115000000e+02, v25  }
0xc5: {  	v13 =	vtrunc.f32 v32;
	v17 =	vadd.s32 v8, v4;
	v4 =	vmul.f32 $5.115000000e+02, v20  }
0xc6: {  	v27 =	vmax.f32 v27, $0.0e+00;
	v26 =	vtrunc.f32 v26;
	v28 =	vadd.f32 $5.120000000e+02, v28  }
0xc7: {  	v40 =	vld [tilespmem:s28+$0xFFFFFF40];
	v6 =	vmin.f32 v6, $1.023500000e+03;
	v27 =	vmin.f32 v27, $1.023500000e+03;
	v49 =	vmul.f32 $5.115000000e+02, v31  }
0xc8: {  	[tilespmem:s26+$0xFFFFFFC0] =	vst v10;
	v46 =	vld.idx.msk [tilespmem:v19+s5+$0x0], $0xffff;
	v6 =	vtrunc.f32 v6;
	v24 =	vmax.f32 v24, $0.0e+00;
	v28 =	vmax.f32 v28, $0.0e+00  }
0xc9: {  	v10 =	vld [tilespmem:s30+$0x40];
	v4 =	vadd.f32 $5.120000000e+02, v4;
	v37 =	vadd.f32 $5.120000000e+02, v49;
	v28 =	vmin.f32 v28, $1.023500000e+03  }
0xca: {  	v8 =	vld [tilespmem:s30+$0x50];
	[tilespmem:s26+$0xFFFFFFE0] =	vst v14;
	v27 =	vtrunc.f32 v27;
	v24 =	vmin.f32 v24, $1.023500000e+03;
	v28 =	vtrunc.f32 v28  }
0xcb: {  	v14 =	vld [tilespmem:s30+$0x60];
	v27 =	vcvt.f32.s32 v27;
	v37 =	vmax.f32 v37, $0.0e+00;
	v28 =	vcvt.f32.s32 v28  }
0xcc: {  	v4 =	vmax.f32 v4, $0.0e+00;
	v24 =	vtrunc.f32 v24;
	v37 =	vmin.f32 v37, $1.023500000e+03  }
0xcd: {  	v39 =	vld [tilespmem:s28+$0xFFFFFF30];
	v52 =	vmul.f32 $5.115000000e+02, v40;
	v4 =	vmin.f32 v4, $1.023500000e+03;
	v50 =	vtrunc.f32 v37  }
0xce: {  	vm0 =	vlt.f32 v46, v5;
	v5 =	vcvt.f32.s32 v24;
	v24 =	vld [tilespmem:s28+$0xFFFFFF60];
	v33 =	vcvt.f32.s32 v50  }
0xcf: {  	v29 =	vmul.f32 $5.115000000e+02, v10;
	v30 =	vmul.f32 $5.115000000e+02, v8;
	v48 =	vld.idx.msk [tilespmem:v21+s5+$0x0], $0xffff;
	v35 =	vadd.f32 $5.120000000e+02, v52  }
0xd0: {  	v4 =	vtrunc.f32 v4;
	v45 =	vmul.f32 $5.115000000e+02, v14;
	v37 =	vld [tilespmem:s28+$0xFFFFFF00]  }
0xd1: {  	v29 =	vadd.f32 $5.120000000e+02, v29;
	v30 =	vadd.f32 $5.120000000e+02, v30;
	v35 =	vmax.f32 v35, $0.0e+00;
	v43 =	vld.idx.msk [tilespmem:v28+s5+$0x0], $0xffff  }
0xd2: {  	v4 =	vcvt.f32.s32 v4;
	v32 =	vadd.f32 $5.120000000e+02, v45;
	v35 =	vmin.f32 v35, $1.023500000e+03  }
0xd3: {  	v29 =	vmax.f32 v29, $0.0e+00;
	v30 =	vmax.f32 v30, $0.0e+00;
	v44 =	vmul.f32 $5.115000000e+02, v24  }
0xd4: {  	v56 =	vtrunc.f32 v35;
	v32 =	vmax.f32 v32, $0.0e+00;
	v29 =	vmin.f32 v29, $1.023500000e+03;
	v45 =	vld.idx.msk [tilespmem:v33+s5+$0x0], $0xffff  }
0xd5: {  	v30 =	vmin.f32 v30, $1.023500000e+03;
	vm2 =	vlt.f32 v48, v7;
	v7 =	vcvt.f32.s32 v26;
	v54 =	vld.idx.msk [tilespmem:v5+s5+$0x0], $0xffff  }
0xd6: {  	v26 =	vmul.f32 $5.115000000e+02, v39;
	vm3 =	vlt.f32 v43, v25;
	v25 =	vmul.f32 $5.115000000e+02, v37  }
0xd7: {  	v32 =	vmin.f32 v32, $1.023500000e+03;
	v29 =	vtrunc.f32 v29;
	v30 =	vtrunc.f32 v30  }
0xd8: {  	v44 =	vadd.f32 $5.120000000e+02, v44;
	v32 =	vtrunc.f32 v32;
	v25 =	vadd.f32 $5.120000000e+02, v25  }
0xd9: {  	v26 =	vadd.f32 $5.120000000e+02, v26;
	v43 =	vsel vm3, $0x1, v0;
	vm3 =	vlt.f32 v45, v31;
	v31 =	vld.idx.msk [tilespmem:v4+s5+$0x0], $0xffff  }
0xda: {  	v30 =	vcvt.f32.s32 v30;
	vm4 =	vlt.f32 v54, v22;
	v25 =	vmax.f32 v25, $0.0e+00  }
0xdb: {  	v22 =	vcvt.f32.s32 v6;
	v46 =	vld.idx.msk [tilespmem:v7+s5+$0x0], $0xffff;
	v6 =	vsel vm3, $0x1, v0;
	v25 =	vmin.f32 v25, $1.023500000e+03  }
0xdc: {  	s29 =	simm.s32 $0x8900;
	v26 =	vmax.f32 v26, $0.0e+00;
	v6 =	vadd.s32 v6, v33;
	v25 =	vtrunc.f32 v25  }
0xdd: {  	v29 =	vcvt.f32.s32 v29;
	v26 =	vmin.f32 v26, $1.023500000e+03;
	[tilespmem:s29+$0xFFFFFF70] =	vst v6;
	v25 =	vcvt.f32.s32 v25  }
0xde: {  	v44 =	vmax.f32 v44, $0.0e+00;
	v26 =	vtrunc.f32 v26;
	vm5 =	vlt.f32 v31, v20;
	v31 =	vld [tilespmem:s28+$0xFFFFFFF0]  }
0xdf: {  	v32 =	vcvt.f32.s32 v32;
	v44 =	vmin.f32 v44, $1.023500000e+03;
	v26 =	vcvt.f32.s32 v26  }
0xe0: {  	vm3 =	vlt.f32 v46, v18;
	v18 =	vcvt.f32.s32 v56;
	v6 =	vtrunc.f32 v44  }
0xe1: {  	v61 =	vld.idx.msk [tilespmem:v55+s5+$0x0], $0xffff;
	v58 =	vsel vm4, $0x1, v0;
	v59 =	vcvt.f32.s32 v6;
	v6 =	vsel vm3, $0x1, v0  }
0xe2: {  	v62 =	vadd.s32 v58, v5;
	v52 =	vld.idx.msk [tilespmem:v30+s5+$0x0], $0xffff;
	v20 =	vcvt.f32.s32 v57;
	v48 =	vadd.s32 v6, v7  }
0xe3: {  	v7 =	vcvt.f32.s32 v11;
	v5 =	vsel vm5, $0x1, v0;
	v63 =	vmul.f32 $5.115000000e+02, v31;
	v60 =	vld.idx.msk [tilespmem:v25+s5+$0x0], $0xffff  }
0xe4: {  	v47 =	vld.idx.msk [tilespmem:v22+s5+$0x0], $0xffff;
	v49 =	vadd.s32 v5, v4;
	v4 =	vcvt.f32.s32 v16;
	v16 =	vsel vm1, $0x1, v0  }
0xe5: {  	v11 =	vld.idx.msk [tilespmem:v26+s5+$0x0], $0xffff;
	v5 =	vsel vm0, $0x1, v0;
	v34 =	vadd.s32 v16, v23;
	v23 =	vadd.f32 $5.120000000e+02, v63  }
0xe6: {  	v6 =	vcvt.f32.s32 v12;
	v12 =	vld.idx.msk [tilespmem:v18+s5+$0x0], $0xffff;
	v35 =	vadd.s32 v5, v19;
	v19 =	vsel vm2, $0x1, v0  }
0xe7: {  	v33 =	vadd.s32 v19, v21;
	v21 =	vmax.f32 v23, $0.0e+00;
	v23 =	vld.idx.msk [tilespmem:v29+s5+$0x0], $0xffff  }
0xe8: {  	v28 =	vadd.s32 v43, v28;
	v5 =	vcvt.f32.s32 v13;
	v50 =	vld.idx.msk [tilespmem:v20+s5+$0x0], $0xffff;
	vm0 =	vlt.f32 v60, v37  }
0xe9: {  	v16 =	vld.idx.msk [tilespmem:v59+s5+$0x0], $0xffff;
	v21 =	vmin.f32 v21, $1.023500000e+03;
	v13 =	vsel vm0, $0x1, v0;
	vm0 =	vlt.f32 v61, v36  }
0xea: {  	[tilespmem:s26+$0x0] =	vst v62;
	v19 =	vld.idx.msk [tilespmem:v27+s5+$0x0], $0xffff;
	v36 =	vsel vm0, $0x1, v0;
	vm0 =	vlt.f32 v47, v38;
	v13 =	vadd.s32 v13, v25  }
0xeb: {  	[tilespmem:s26+$0x20] =	vst v49;
	v38 =	vsel vm0, $0x1, v0;
	vm0 =	vlt.f32 v11, v39;
	v11 =	vtrunc.f32 v21;
	v21 =	vld.idx.msk [tilespmem:v32+s5+$0x0], $0xffff  }
0xec: {  	vm1 =	vlt.f32 v23, v10;
	[tilespmem:s29+$0xFFFFFF00] =	vst v13;
	v13 =	vld [tilespmem:s30+$0xA0];
	v39 =	vsel vm0, $0x1, v0;
	vm0 =	vlt.f32 v12, v40  }
0xed: {  	[tilespmem:s26+$0x10] =	vst v48;
	v53 =	vcvt.f32.s32 v11;
	v11 =	vld [tilespmem:s30+$0x80];
	v54 =	vsel vm0, $0x1, v0;
	vm0 =	vlt.f32 v50, v41  }
0xee: {  	v12 =	vld [tilespmem:s30+$0x90];
	v22 =	vadd.s32 v38, v22;
	v25 =	vsel vm0, $0x1, v0;
	vm0 =	vlt.f32 v16, v24  }
0xef: {  	[tilespmem:s29+$0xFFFFFF20] =	vst v22;
	v16 =	vadd.s32 v36, v55;
	v36 =	vld [tilespmem:s28+$0xFFFFFF80];
	v18 =	vadd.s32 v54, v18;
	v24 =	vsel vm0, $0x1, v0  }
0xf0: {  	[tilespmem:s29+$0xFFFFFF10] =	vst v16;
	v16 =	vadd.s32 v39, v26;
	v20 =	vadd.s32 v25, v20;
	vm0 =	vlt.f32 v19, v9;
	v19 =	vld [tilespmem:s28+$0xFFFFFFA0]  }
0xf1: {  	v25 =	vld [tilespmem:s28+$0xFFFFFF90];
	v9 =	vadd.s32 v24, v59;
	v10 =	vsel vm0, $0x1, v0;
	[tilespmem:s29+$0xFFFFFF30] =	vst v16;
	vm0 =	vlt.f32 v52, v8  }
0xf2: {  	vm2 =	vlt.f32 v21, v14;
	v14 =	vsel vm1, $0x1, v0;
	[tilespmem:s29+$0xFFFFFF50] =	vst v20;
	v16 =	vsel vm0, $0x1, v0;
	v23 =	vld [tilespmem:s28+$0xFFFFFFB0]  }
0xf3: {  	[tilespmem:s29+$0xFFFFFF40] =	vst v18;
	v18 =	vsel vm2, $0x1, v0;
	v10 =	vadd.s32 v10, v27;
	v14 =	vadd.s32 v14, v29;
	v26 =	vld [tilespmem:s28+$0xFFFFFFD0]  }
0xf4: {  	[tilespmem:s29+$0xFFFFFF60] =	vst v9;
	v9 =	vmul.f32 $5.115000000e+02, v11;
	v22 =	vmul.f32 $5.115000000e+02, v12;
	v8 =	vld.idx.msk [tilespmem:v53+s5+$0x0], $0xffff;
	v16 =	vadd.s32 v16, v30  }
0xf5: {  	v24 =	vld [tilespmem:s28+$0xFFFFFFC0];
	v18 =	vadd.s32 v18, v32;
	v30 =	vmul.f32 $5.115000000e+02, v13;
	v20 =	vmul.f32 $5.115000000e+02, v36  }
0xf6: {  	v29 =	vld [tilespmem:s28+$0xFFFFFFE0];
	v9 =	vadd.f32 $5.120000000e+02, v9;
	v22 =	vadd.f32 $5.120000000e+02, v22;
	v27 =	vmul.f32 $5.115000000e+02, v19  }
0xf7: {  	[tilespmem:s26+$0x40] =	vst v14;
	v30 =	vadd.f32 $5.120000000e+02, v30;
	v21 =	vmul.f32 $5.115000000e+02, v25;
	v20 =	vadd.f32 $5.120000000e+02, v20  }
0xf8: {  	v14 =	vld [tilespmem:s30+$0xC0];
	v61 =	vmax.f32 v9, $0.0e+00;
	v27 =	vadd.f32 $5.120000000e+02, v27;
	v55 =	vmul.f32 $5.115000000e+02, v23  }
0xf9: {  	v56 =	vmul.f32 $5.115000000e+02, v26;
	v21 =	vadd.f32 $5.120000000e+02, v21;
	vm0 =	vlt.f32 v8, v31  }
0xfa: {  	[tilespmem:s26+$0x60] =	vst v18;
	v8 =	vmax.f32 v20, $0.0e+00;
	v20 =	vmul.f32 $5.115000000e+02, v24;
	v31 =	vsel vm0, $0x1, v0  }
0xfb: {  	v9 =	vld [tilespmem:s30+$0xE0];
	v57 =	vmul.f32 $5.115000000e+02, v29;
	v32 =	vadd.f32 $5.120000000e+02, v55;
	v31 =	vadd.s32 v31, v53  }
0xfc: {  	v27 =	vmax.f32 v27, $0.0e+00;
	v58 =	vadd.f32 $5.120000000e+02, v56;
	v8 =	vmin.f32 v8, $1.023500000e+03;
	[tilespmem:s29+$0xFFFFFFF0] =	vst v31  }
0xfd: {  	v62 =	vmul.f32 $5.115000000e+02, v14;
	v21 =	vmax.f32 v21, $0.0e+00;
	v20 =	vadd.f32 $5.120000000e+02, v20;
	v37 =	vld [tilespmem:s28+$0x70]  }
0xfe: {  	v38 =	vadd.f32 $5.120000000e+02, v57;
	v27 =	vmin.f32 v27, $1.023500000e+03;
	v59 =	vtrunc.f32 v8  }
0xff: {  	v31 =	vmax.f32 v32, $0.0e+00;
	v21 =	vmin.f32 v21, $1.023500000e+03;
	v27 =	vtrunc.f32 v27  }
0x100: {  	v32 =	vmax.f32 v58, $0.0e+00;
	v18 =	vcvt.f32.s32 v59;
	v52 =	vmul.f32 $5.115000000e+02, v9  }
0x101: {  	[tilespmem:s26+$0x30] =	vst v10;
	v20 =	vmax.f32 v20, $0.0e+00;
	v31 =	vmin.f32 v31, $1.023500000e+03;
	v21 =	vtrunc.f32 v21  }
0x102: {  	v8 =	vld [tilespmem:s30+$0xB0];
	v38 =	vmax.f32 v38, $0.0e+00;
	v27 =	vcvt.f32.s32 v27;
	v10 =	vmul.f32 $5.115000000e+02, v37  }
0x103: {  	v32 =	vmin.f32 v32, $1.023500000e+03;
	v20 =	vmin.f32 v20, $1.023500000e+03;
	v40 =	vcvt.f32.s32 v21  }
0x104: {  	[tilespmem:s26+$0x50] =	vst v16;
	v31 =	vtrunc.f32 v31;
	v16 =	vtrunc.f32 v20;
	v60 =	vadd.f32 $5.120000000e+02, v10  }
0x105: {  	v38 =	vmin.f32 v38, $1.023500000e+03;
	v20 =	vtrunc.f32 v32;
	v32 =	vcvt.f32.s32 v31  }
0x106: {  	v39 =	vadd.f32 $5.120000000e+02, v62;
	v38 =	vtrunc.f32 v38;
	v63 =	vld.idx.msk [tilespmem:v18+s5+$0x0], $0xffff;
	v21 =	vmax.f32 v60, $0.0e+00  }
0x107: {  	v41 =	vcvt.f32.s32 v16;
	v31 =	vmul.f32 $5.115000000e+02, v8;
	v10 =	vld [tilespmem:s30+$0xD0];
	v16 =	vmin.f32 v21, $1.023500000e+03  }
0x108: {  	v54 =	vadd.f32 $5.120000000e+02, v52;
	v20 =	vcvt.f32.s32 v20;
	v55 =	vld.idx.msk [tilespmem:v27+s5+$0x0], $0xffff;
	v16 =	vtrunc.f32 v16  }
0x109: {  	v38 =	vcvt.f32.s32 v38;
	v31 =	vadd.f32 $5.120000000e+02, v31;
	v53 =	vld.idx.msk [tilespmem:v40+s5+$0x0], $0xffff;
	v16 =	vcvt.f32.s32 v16  }
0x10a: {  	v21 =	vmax.f32 v22, $0.0e+00;
	v22 =	vmax.f32 v30, $0.0e+00;
	v30 =	vmin.f32 v61, $1.023500000e+03  }
0x10b: {  	v57 =	vld.idx.msk [tilespmem:v32+s5+$0x0], $0xffff;
	vm0 =	vlt.f32 v63, v36;
	v21 =	vmin.f32 v21, $1.023500000e+03;
	v46 =	vtrunc.f32 v30  }
0x10c: {  	v22 =	vmin.f32 v22, $1.023500000e+03;
	v51 =	vmul.f32 $5.115000000e+02, v10;
	v56 =	vtrunc.f32 v21  }
0x10d: {  	v60 =	vld.idx.msk [tilespmem:v41+s5+$0x0], $0xffff;
	v21 =	vmax.f32 v31, $0.0e+00;
	v31 =	vmax.f32 v39, $0.0e+00;
	v62 =	vtrunc.f32 v22  }
0x10e: {  	vm1 =	vlt.f32 v53, v25;
	v25 =	vsel vm0, $0x1, v0;
	vm0 =	vlt.f32 v55, v19  }
0x10f: {  	v31 =	vmin.f32 v31, $1.023500000e+03;
	v18 =	vadd.s32 v25, v18;
	v25 =	vsel vm1, $0x1, v0;
	v58 =	vld.idx.msk [tilespmem:v16+s5+$0x0], $0xffff  }
0x110: {  	v52 =	vld.idx.msk [tilespmem:v38+s5+$0x0], $0xffff;
	v19 =	vsel vm0, $0x1, v0;
	vm0 =	vlt.f32 v57, v23;
	[tilespmem:s29+$0xFFFFFF80] =	vst v18;
	v18 =	vadd.s32 v25, v40  }
0x111: {  	v63 =	vld.idx.msk [tilespmem:v20+s5+$0x0], $0xffff;
	v30 =	vadd.f32 $5.120000000e+02, v51;
	[tilespmem:s29+$0xFFFFFF90] =	vst v18;
	v18 =	vadd.s32 v19, v27;
	v19 =	vsel vm0, $0x1, v0  }
0x112: {  	v22 =	vtrunc.f32 v31;
	vm1 =	vlt.f32 v60, v24;
	v31 =	vld [tilespmem:s28+$0x10];
	[tilespmem:s29+$0xFFFFFFA0] =	vst v18;
	v18 =	vadd.s32 v19, v32  }
0x113: {  	v43 =	vmax.f32 v54, $0.0e+00;
	v30 =	vmax.f32 v30, $0.0e+00;
	[tilespmem:s29+$0xFFFFFFB0] =	vst v18;
	v18 =	vsel vm1, $0x1, v0  }
0x114: {  	v59 =	vmin.f32 v30, $1.023500000e+03;
	v30 =	vld [tilespmem:s28+$0x0];
	v18 =	vadd.s32 v18, v41;
	vm0 =	vlt.f32 v58, v37  }
0x115: {  	v61 =	vmin.f32 v43, $1.023500000e+03;
	v21 =	vmin.f32 v21, $1.023500000e+03;
	v32 =	vld [tilespmem:s28+$0x20];
	[tilespmem:s29+$0xFFFFFFC0] =	vst v18;
	v19 =	vsel vm0, $0x1, v0  }
0x116: {  	v21 =	vtrunc.f32 v21;
	v18 =	vld [tilespmem:s28+$0x40];
	vm0 =	vlt.f32 v63, v26;
	v19 =	vadd.s32 v19, v16  }
0x117: {  	v53 =	vld.idx.msk [tilespmem:v7+s5+$0x0], $0xffff;
	v25 =	vmul.f32 $5.115000000e+02, v31;
	v23 =	vsel vm0, $0x1, v0;
	vm0 =	vlt.f32 v52, v29;
	[tilespmem:s29+$0x70] =	vst v19  }
0x118: {  	v27 =	vtrunc.f32 v61;
	v19 =	vadd.s32 v23, v20;
	v20 =	vsel vm0, $0x1, v0;
	v36 =	vld [tilespmem:s28+$0xF0]  }
0x119: {  	v24 =	vmul.f32 $5.115000000e+02, v30;
	v54 =	vadd.f32 $5.120000000e+02, v25;
	v16 =	vld [tilespmem:s28+$0x30];
	[tilespmem:s29+$0xFFFFFFD0] =	vst v19;
	v20 =	vadd.s32 v20, v38  }
0x11a: {  	v25 =	vcvt.f32.s32 v62;
	v26 =	vtrunc.f32 v59;
	v19 =	vld [tilespmem:s28+$0x50];
	[tilespmem:s29+$0xFFFFFFE0] =	vst v20  }
0x11b: {  	v29 =	vmul.f32 $5.115000000e+02, v32;
	v58 =	vmax.f32 v54, $0.0e+00;
	v60 =	vmul.f32 $5.115000000e+02, v18;
	v20 =	vld [tilespmem:s28+$0x60]  }
0x11c: {  	v23 =	vcvt.f32.s32 v46;
	vm0 =	vlt.f32 v53, v15;
	v15 =	vadd.f32 $5.120000000e+02, v24  }
0x11d: {  	v24 =	vcvt.f32.s32 v56;
	v42 =	vmin.f32 v58, $1.023500000e+03;
	v57 =	vmul.f32 $5.115000000e+02, v36  }
0x11e: {  	[tilespmem:s25+$0xF0] =	vst v17;
	v17 =	vld.idx.msk [tilespmem:v4+s5+$0x0], $0xffff;
	v38 =	vadd.f32 $5.120000000e+02, v60;
	v56 =	vmax.f32 v15, $0.0e+00;
	v15 =	vadd.f32 $5.120000000e+02, v29  }
0x11f: {  	v29 =	vld.idx.msk [tilespmem:v6+s5+$0x0], $0xffff;
	v55 =	vmul.f32 $5.115000000e+02, v16;
	v61 =	vmul.f32 $5.115000000e+02, v19;
	v62 =	vadd.f32 $5.120000000e+02, v57  }
0x120: {  	[tilespmem:s25+$0x80] =	vst v35;
	v35 =	vmax.f32 v38, $0.0e+00;
	v38 =	vld.idx.msk [tilespmem:v25+s5+$0x0], $0xffff;
	v40 =	vmax.f32 v15, $0.0e+00;
	v63 =	vmul.f32 $5.115000000e+02, v20  }
0x121: {  	[tilespmem:s26+$0xF0] =	vst v28;
	v15 =	vld.idx.msk [tilespmem:v5+s5+$0x0], $0xffff;
	v59 =	vadd.f32 $5.120000000e+02, v55;
	v43 =	vadd.f32 $5.120000000e+02, v61;
	v44 =	vmax.f32 v62, $0.0e+00  }
0x122: {  	[tilespmem:s25+$0x90] =	vst v34;
	v41 =	vmin.f32 v56, $1.023500000e+03;
	v28 =	vld.idx.msk [tilespmem:v23+s5+$0x0], $0xffff;
	v34 =	vadd.f32 $5.120000000e+02, v63;
	v44 =	vmin.f32 v44, $1.023500000e+03  }
0x123: {  	s31 =	simm.s32 $0x10;
	s0 =	simm.s32 $0xB00;
	[tilespmem:s25+$0xA0] =	vst v33;
	s30 =	simm.s32 $0x8900;
	v37 =	vld.idx.msk [tilespmem:v24+s5+$0x0], $0xffff;
	v39 =	vmax.f32 v59, $0.0e+00;
	v33 =	vmax.f32 v43, $0.0e+00;
	v43 =	vtrunc.f32 v44  }
.LBB2_3:
0x124: {  	v44 =	vld [tilespmem:s0+$0xFFFFFF70];
	s31 =	sadd.s32 $0x8, s31;
	v40 =	vmin.f32 v40, $1.023500000e+03;
	v45 =	vmax.f32 v34, $0.0e+00;
	v43 =	vcvt.f32.s32 v43  }
0x125: {  	v39 =	vmin.f32 v39, $1.023500000e+03;
	v46 =	vmin.f32 v35, $1.023500000e+03;
	v47 =	vmin.f32 v33, $1.023500000e+03;
	v34 =	vld [tilespmem:s0+$0xFFFFFF10];
	p1 =	slt.u32 s31, $0xF8  }
0x126: {  	v41 =	vtrunc.f32 v41;
	v42 =	vtrunc.f32 v42;
	v45 =	vmin.f32 v45, $1.023500000e+03;
	v35 =	vld [tilespmem:s0+$0xFFFFFF20]  }
0x127: {  	v40 =	vtrunc.f32 v40;
	v39 =	vtrunc.f32 v39;
	vm1 =	vlt.f32 v28, v11;
	v33 =	vld [tilespmem:s0+$0xFFFFFF30]  }
0x128: {  	v46 =	vtrunc.f32 v46;
	v47 =	vtrunc.f32 v47;
	vm2 =	vlt.f32 v37, v12;
	v28 =	vld [tilespmem:s0+$0xFFFFFF40]  }
0x129: {  	v45 =	vtrunc.f32 v45;
	vm3 =	vlt.f32 v38, v13;
	v11 =	vld [tilespmem:s0+$0xFFFFFF50];
	v37 =	vmul.f32 $5.115000000e+02, v44  }
0x12a: {  	vm4 =	vlt.f32 v29, v3;
	v3 =	vmovc v14;
	v38 =	vcvt.f32.s32 v41;
	v13 =	vmul.f32 $5.115000000e+02, v34;
	v41 =	vld.idx.msk [tilespmem:v43+s5+$0x0], $0xffff  }
0x12b: {  	v14 =	vmul.f32 $5.115000000e+02, v35;
	v12 =	vld [tilespmem:s0+$0xFFFFFF60];
	v29 =	vadd.f32 $5.120000000e+02, v37;
	v37 =	vcvt.f32.s32 v42  }
0x12c: {  	v40 =	vcvt.f32.s32 v40;
	v42 =	vld [tilespmem:s0+$0xFFFFFF00];
	v13 =	vadd.f32 $5.120000000e+02, v13;
	v48 =	vmul.f32 $5.115000000e+02, v33  }
0x12d: {  	v14 =	vadd.f32 $5.120000000e+02, v14;
	v49 =	vmul.f32 $5.115000000e+02, v28;
	v29 =	vmax.f32 v29, $0.0e+00  }
0x12e: {  	v48 =	vadd.f32 $5.120000000e+02, v48;
	v50 =	vmul.f32 $5.115000000e+02, v11;
	v29 =	vmin.f32 v29, $1.023500000e+03  }
0x12f: {  	v13 =	vmax.f32 v13, $0.0e+00;
	v49 =	vadd.f32 $5.120000000e+02, v49;
	v29 =	vtrunc.f32 v29  }
0x130: {  	vm5 =	vlt.f32 v41, v36;
	v51 =	vmul.f32 $5.115000000e+02, v12;
	v29 =	vcvt.f32.s32 v29;
	v52 =	vld.idx.msk [tilespmem:v38+s5+$0x0], $0xffff  }
0x131: {  	v41 =	vadd.f32 $5.120000000e+02, v50;
	v53 =	vsel vm5, $0x1, v0;
	v36 =	vmul.f32 $5.115000000e+02, v42;
	v50 =	vld.idx.msk [tilespmem:v37+s5+$0x0], $0xffff  }
0x132: {  	v14 =	vmax.f32 v14, $0.0e+00;
	v43 =	vadd.s32 v53, v43;
	v51 =	vadd.f32 $5.120000000e+02, v51;
	v54 =	vld.idx.msk [tilespmem:v40+s5+$0x0], $0xffff  }
0x133: {  	v48 =	vmax.f32 v48, $0.0e+00;
	v49 =	vmax.f32 v49, $0.0e+00;
	v36 =	vadd.f32 $5.120000000e+02, v36;
	[tilespmem:s29+$0xF0] =	vst v43  }
0x134: {  	v13 =	vmin.f32 v13, $1.023500000e+03;
	v41 =	vmax.f32 v41, $0.0e+00;
	v43 =	vmax.f32 v51, $0.0e+00  }
0x135: {  	v14 =	vmin.f32 v14, $1.023500000e+03;
	v48 =	vmin.f32 v48, $1.023500000e+03;
	v36 =	vmax.f32 v36, $0.0e+00  }
0x136: {  	v49 =	vmin.f32 v49, $1.023500000e+03;
	v41 =	vmin.f32 v41, $1.023500000e+03;
	v36 =	vmin.f32 v36, $1.023500000e+03;
	v51 =	vld.idx.msk [tilespmem:v29+s5+$0x0], $0xffff  }
0x137: {  	v13 =	vtrunc.f32 v13;
	v43 =	vmin.f32 v43, $1.023500000e+03;
	v36 =	vtrunc.f32 v36  }
0x138: {  	v14 =	vtrunc.f32 v14;
	v48 =	vtrunc.f32 v48;
	vm5 =	vlt.f32 v52, v30  }
0x139: {  	v41 =	vtrunc.f32 v41;
	v30 =	vtrunc.f32 v49;
	vm6 =	vlt.f32 v50, v31  }
0x13a: {  	vm7 =	vlt.f32 v54, v32;
	v31 =	vcvt.f32.s32 v36;
	v36 =	vtrunc.f32 v43  }
0x13b: {  	v13 =	vcvt.f32.s32 v13;
	v32 =	vcvt.f32.s32 v14;
	v43 =	vsel vm5, $0x1, v0  }
0x13c: {  	v48 =	vcvt.f32.s32 v48;
	v30 =	vcvt.f32.s32 v30;
	vm5 =	vlt.f32 v51, v44  }
0x13d: {  	v41 =	vcvt.f32.s32 v41;
	v36 =	vcvt.f32.s32 v36;
	v14 =	vsel vm5, $0x1, v0  }
0x13e: {  	s29 =	sadd.s32 $0x200, s29;
	v14 =	vadd.s32 v14, v29;
	v29 =	vcvt.f32.s32 v39;
	v39 =	vcvt.f32.s32 v46  }
0x13f: {  	v45 =	vcvt.f32.s32 v45;
	v44 =	vsel vm6, $0x1, v0;
	v46 =	vcvt.f32.s32 v47;
	[tilespmem:s29+$0xFFFFFF70] =	vst v14  }
0x140: {  	v38 =	vadd.s32 v43, v38;
	v43 =	vsel vm7, $0x1, v0;
	v37 =	vadd.s32 v44, v37;
	v14 =	vld [tilespmem:s0+$0xFFFFFFF0]  }
0x141: {  	v21 =	vcvt.f32.s32 v21;
	v22 =	vcvt.f32.s32 v22;
	v44 =	vld.idx.msk [tilespmem:v31+s5+$0x0], $0xffff;
	[tilespmem:s30+$0x0] =	vst v38;
	v38 =	vadd.s32 v43, v40  }
0x142: {  	v26 =	vcvt.f32.s32 v26;
	v27 =	vcvt.f32.s32 v27;
	vm5 =	vlt.f32 v17, v2;
	v2 =	vmovc v10;
	v40 =	vld.idx.msk [tilespmem:v13+s5+$0x0], $0xffff;
	[tilespmem:s30+$0x10] =	vst v37  }
0x143: {  	v17 =	vsel vm1, $0x1, v0;
	vm1 =	vlt.f32 v15, v1;
	v1 =	vmovc v9;
	v37 =	vsel vm2, $0x1, v0;
	v10 =	vld.idx.msk [tilespmem:v32+s5+$0x0], $0xffff;
	[tilespmem:s30+$0x20] =	vst v38  }
0x144: {  	v15 =	vsel vm3, $0x1, v0;
	v43 =	vsel vm4, $0x1, v0;
	v38 =	vsel vm0, $0x1, v0;
	v9 =	vld.idx.msk [tilespmem:v48+s5+$0x0], $0xffff  }
0x145: {  	v50 =	vsel vm5, $0x1, v0;
	v51 =	vsel vm1, $0x1, v0;
	v47 =	vld.idx.msk [tilespmem:v30+s5+$0x0], $0xffff;
	v49 =	vmul.f32 $5.115000000e+02, v14  }
0x146: {  	v17 =	vadd.s32 v17, v23;
	v15 =	vadd.s32 v15, v25;
	v23 =	vadd.s32 v37, v24;
	v52 =	vld.idx.msk [tilespmem:v41+s5+$0x0], $0xffff  }
0x147: {  	vm0 =	vlt.f32 v44, v42;
	v24 =	vld.idx.msk [tilespmem:v36+s5+$0x0], $0xffff;
	v25 =	vadd.f32 $5.120000000e+02, v49;
	[tilespmem:s26+$0x80] =	vst v17;
	v17 =	vadd.s32 v38, v7  }
0x148: {  	v37 =	vsel vm0, $0x1, v0;
	vm0 =	vlt.f32 v40, v34;
	v34 =	vld.idx.msk [tilespmem:v29+s5+$0x0], $0xffff;
	[tilespmem:s26+$0x90] =	vst v23;
	v23 =	vadd.s32 v43, v6  }
0x149: {  	v7 =	vmovc v21;
	v38 =	vsel vm0, $0x1, v0;
	vm0 =	vlt.f32 v10, v35;
	v35 =	vmax.f32 v25, $0.0e+00;
	v10 =	vld.idx.msk [tilespmem:v39+s5+$0x0], $0xffff;
	[tilespmem:s26+$0xA0] =	vst v15  }
0x14a: {  	v6 =	vmovc v22;
	v15 =	vsel vm0, $0x1, v0;
	vm0 =	vlt.f32 v9, v33;
	v9 =	vmin.f32 v35, $1.023500000e+03;
	v25 =	vld.idx.msk [tilespmem:v46+s5+$0x0], $0xffff;
	[tilespmem:s25+$0xB0] =	vst v17  }
0x14b: {  	v17 =	vsel vm0, $0x1, v0;
	vm0 =	vlt.f32 v47, v28;
	v9 =	vtrunc.f32 v9;
	v28 =	vld.idx.msk [tilespmem:v45+s5+$0x0], $0xffff;
	[tilespmem:s25+$0xC0] =	vst v23  }
0x14c: {  	v22 =	vsel vm0, $0x1, v0;
	vm0 =	vlt.f32 v52, v11;
	v9 =	vcvt.f32.s32 v9;
	v11 =	vld [tilespmem:s28+$0x80]  }
0x14d: {  	v21 =	vadd.s32 v37, v31;
	v23 =	vsel vm0, $0x1, v0;
	vm0 =	vlt.f32 v24, v12;
	v12 =	vld [tilespmem:s28+$0x90]  }
0x14e: {  	v15 =	vadd.s32 v15, v32;
	v24 =	vadd.s32 v38, v13;
	v31 =	vsel vm0, $0x1, v0;
	[tilespmem:s29+$0xFFFFFF00] =	vst v21;
	v13 =	vld [tilespmem:s28+$0xA0]  }
0x14f: {  	v17 =	vadd.s32 v17, v48;
	v23 =	vadd.s32 v23, v41;
	v21 =	vld [tilespmem:s0+$0xFFFFFF80];
	[tilespmem:s29+$0xFFFFFF10] =	vst v24;
	v24 =	vadd.s32 v22, v30  }
0x150: {  	vm0 =	vlt.f32 v34, v16;
	vm1 =	vlt.f32 v10, v18;
	v22 =	vld [tilespmem:s0+$0xFFFFFF90];
	[tilespmem:s29+$0xFFFFFF20] =	vst v15;
	v15 =	vadd.s32 v31, v36  }
0x151: {  	v10 =	vsel vm0, $0x1, v0;
	vm0 =	vlt.f32 v25, v19;
	vm2 =	vlt.f32 v28, v20;
	v16 =	vld [tilespmem:s0+$0xFFFFFFA0];
	[tilespmem:s29+$0xFFFFFF30] =	vst v17  }
0x152: {  	v18 =	vsel vm1, $0x1, v0;
	v19 =	vsel vm0, $0x1, v0;
	v20 =	vsel vm2, $0x1, v0;
	[tilespmem:s29+$0xFFFFFF40] =	vst v24;
	v17 =	vld.idx.msk [tilespmem:v9+s5+$0x0], $0xffff  }
0x153: {  	v10 =	vadd.s32 v10, v29;
	v25 =	vadd.s32 v18, v39;
	v28 =	vadd.s32 v19, v46;
	v24 =	vld [tilespmem:s0+$0xFFFFFFB0];
	[tilespmem:s29+$0xFFFFFF50] =	vst v23  }
0x154: {  	v29 =	vadd.s32 v20, v45;
	v23 =	vmul.f32 $5.115000000e+02, v21;
	v18 =	vld [tilespmem:s0+$0xFFFFFFC0];
	[tilespmem:s29+$0xFFFFFF60] =	vst v15;
	v15 =	vmul.f32 $5.115000000e+02, v11  }
0x155: {  	v31 =	vadd.s32 v50, v4;
	v4 =	vmovc v26;
	v30 =	vmul.f32 $5.115000000e+02, v12;
	v20 =	vmul.f32 $5.115000000e+02, v22;
	v19 =	vld [tilespmem:s0+$0xFFFFFFD0];
	[tilespmem:s30+$0x30] =	vst v10  }
0x156: {  	v32 =	vmul.f32 $5.115000000e+02, v13;
	v10 =	vadd.f32 $5.120000000e+02, v23;
	v26 =	vmul.f32 $5.115000000e+02, v16;
	v23 =	vld [tilespmem:s0+$0xFFFFFFE0];
	[tilespmem:s30+$0x40] =	vst v25  }
0x157: {  	v33 =	vadd.f32 $5.120000000e+02, v15;
	v15 =	vadd.s32 v51, v5;
	v5 =	vmovc v27;
	v25 =	vadd.f32 $5.120000000e+02, v20;
	v20 =	vld [tilespmem:s28+$0xB0];
	[tilespmem:s30+$0x50] =	vst v28  }
0x158: {  	vm0 =	vlt.f32 v17, v14;
	v26 =	vadd.f32 $5.120000000e+02, v26;
	v27 =	vmul.f32 $5.115000000e+02, v24;
	v14 =	vld [tilespmem:s28+$0xC0];
	[tilespmem:s30+$0x60] =	vst v29  }
0x159: {  	v17 =	vmax.f32 v10, $0.0e+00;
	v29 =	vsel vm0, $0x1, v0;
	v28 =	vmul.f32 $5.115000000e+02, v18;
	v10 =	vld [tilespmem:s28+$0xD0];
	[tilespmem:s25+$0xD0] =	vst v31  }
0x15a: {  	v29 =	vadd.s32 v29, v9;
	v27 =	vadd.f32 $5.120000000e+02, v27;
	v31 =	vmul.f32 $5.115000000e+02, v19;
	v9 =	vld [tilespmem:s28+$0xE0];
	[tilespmem:s25+$0xE0] =	vst v15;
	s25 =	smov.u32 s26;
	s26 =	smov.u32 s30;
	s30 =	smov.u32 s29  }
0x15b: {  	v15 =	vmax.f32 v25, $0.0e+00;
	s28 =	smov.u32 s0;
	v28 =	vadd.f32 $5.120000000e+02, v28;
	v34 =	vmul.f32 $5.115000000e+02, v23;
	[tilespmem:s29+$0xFFFFFFF0] =	vst v29;
	v25 =	vld.idx.msk [tilespmem:v7+s5+$0x0], $0xffff  }
0x15c: {  	v26 =	vmax.f32 v26, $0.0e+00;
	v27 =	vmax.f32 v27, $0.0e+00;
	v31 =	vadd.f32 $5.120000000e+02, v31;
	v35 =	vld [tilespmem:s0+$0x70]  }
0x15d: {  	v36 =	vmin.f32 v17, $1.023500000e+03;
	v28 =	vmax.f32 v28, $0.0e+00;
	v34 =	vadd.f32 $5.120000000e+02, v34;
	v29 =	vld.idx.msk [tilespmem:v6+s5+$0x0], $0xffff  }
0x15e: {  	v37 =	vmin.f32 v15, $1.023500000e+03;
	v26 =	vmin.f32 v26, $1.023500000e+03;
	v31 =	vmax.f32 v31, $0.0e+00;
	v17 =	vld.idx.msk [tilespmem:v4+s5+$0x0], $0xffff  }
0x15f: {  	v27 =	vmin.f32 v27, $1.023500000e+03;
	v28 =	vmin.f32 v28, $1.023500000e+03;
	v34 =	vmax.f32 v34, $0.0e+00;
	v15 =	vld.idx.msk [tilespmem:v5+s5+$0x0], $0xffff  }
0x160: {  	v36 =	vtrunc.f32 v36;
	v31 =	vmin.f32 v31, $1.023500000e+03;
	v34 =	vmin.f32 v34, $1.023500000e+03  }
0x161: {  	v30 =	vadd.f32 $5.120000000e+02, v30;
	v37 =	vtrunc.f32 v37;
	v38 =	vmul.f32 $5.115000000e+02, v35  }
0x162: {  	v32 =	vadd.f32 $5.120000000e+02, v32;
	v26 =	vtrunc.f32 v26;
	v27 =	vtrunc.f32 v27  }
0x163: {  	v28 =	vtrunc.f32 v28;
	v31 =	vtrunc.f32 v31;
	v38 =	vadd.f32 $5.120000000e+02, v38  }
0x164: {  	v33 =	vmax.f32 v33, $0.0e+00;
	v36 =	vcvt.f32.s32 v36;
	v34 =	vtrunc.f32 v34  }
0x165: {  	v37 =	vcvt.f32.s32 v37;
	v26 =	vcvt.f32.s32 v26;
	v38 =	vmax.f32 v38, $0.0e+00  }
0x166: {  	v27 =	vcvt.f32.s32 v27;
	v28 =	vcvt.f32.s32 v28;
	v38 =	vmin.f32 v38, $1.023500000e+03  }
0x167: {  	v30 =	vmax.f32 v30, $0.0e+00;
	v39 =	vcvt.f32.s32 v31;
	v31 =	vtrunc.f32 v38  }
0x168: {  	v34 =	vcvt.f32.s32 v34;
	v38 =	vcvt.f32.s32 v31;
	v31 =	vmax.f32 v32, $0.0e+00  }
0x169: {  	v40 =	vmul.f32 $5.115000000e+02, v14;
	v32 =	vmin.f32 v33, $1.023500000e+03;
	v33 =	vmul.f32 $5.115000000e+02, v20  }
0x16a: {  	v30 =	vmin.f32 v30, $1.023500000e+03;
	v42 =	vmul.f32 $5.115000000e+02, v10;
	v43 =	vmul.f32 $5.115000000e+02, v9;
	v41 =	vld.idx.msk [tilespmem:v36+s5+$0x0], $0xffff  }
0x16b: {  	v40 =	vadd.f32 $5.120000000e+02, v40;
	v31 =	vmin.f32 v31, $1.023500000e+03;
	v33 =	vadd.f32 $5.120000000e+02, v33;
	v44 =	vld.idx.msk [tilespmem:v37+s5+$0x0], $0xffff  }
0x16c: {  	v46 =	vtrunc.f32 v32;
	v32 =	vadd.f32 $5.120000000e+02, v42;
	v42 =	vadd.f32 $5.120000000e+02, v43;
	v45 =	vld.idx.msk [tilespmem:v26+s5+$0x0], $0xffff  }
0x16d: {  	v47 =	vtrunc.f32 v30;
	v30 =	vmax.f32 v33, $0.0e+00;
	v33 =	vmax.f32 v40, $0.0e+00;
	v43 =	vld.idx.msk [tilespmem:v27+s5+$0x0], $0xffff  }
0x16e: {  	v32 =	vmax.f32 v32, $0.0e+00;
	v42 =	vmax.f32 v42, $0.0e+00;
	v30 =	vmin.f32 v30, $1.023500000e+03;
	v40 =	vld.idx.msk [tilespmem:v38+s5+$0x0], $0xffff  }
0x16f: {  	v49 =	vmin.f32 v32, $1.023500000e+03;
	v42 =	vmin.f32 v42, $1.023500000e+03;
	v33 =	vmin.f32 v33, $1.023500000e+03;
	v48 =	vld.idx.msk [tilespmem:v28+s5+$0x0], $0xffff  }
0x170: {  	v50 =	vtrunc.f32 v31;
	vm0 =	vlt.f32 v41, v21;
	v21 =	vtrunc.f32 v30;
	v41 =	vld.idx.msk [tilespmem:v39+s5+$0x0], $0xffff  }
0x171: {  	v30 =	vsel vm0, $0x1, v0;
	vm0 =	vlt.f32 v44, v22;
	v22 =	vtrunc.f32 v33;
	v44 =	vld.idx.msk [tilespmem:v34+s5+$0x0], $0xffff  }
0x172: {  	v30 =	vadd.s32 v30, v36;
	v31 =	vsel vm0, $0x1, v0;
	vm0 =	vlt.f32 v45, v16  }
0x173: {  	v16 =	vadd.s32 v31, v37;
	v31 =	vsel vm0, $0x1, v0;
	vm0 =	vlt.f32 v43, v24;
	[tilespmem:s29+$0xFFFFFF80] =	vst v30  }
0x174: {  	v24 =	vsel vm0, $0x1, v0;
	vm0 =	vlt.f32 v40, v35;
	v30 =	vld [tilespmem:s0+$0x0];
	[tilespmem:s29+$0xFFFFFF90] =	vst v16;
	v16 =	vadd.s32 v31, v26  }
0x175: {  	vm1 =	vlt.f32 v48, v18;
	v18 =	vsel vm0, $0x1, v0;
	v31 =	vld [tilespmem:s0+$0x10];
	[tilespmem:s29+$0xFFFFFFA0] =	vst v16;
	v16 =	vadd.s32 v24, v27  }
0x176: {  	v24 =	vsel vm1, $0x1, v0;
	vm0 =	vlt.f32 v41, v19;
	v18 =	vadd.s32 v18, v38;
	v32 =	vld [tilespmem:s0+$0x20];
	[tilespmem:s29+$0xFFFFFFB0] =	vst v16  }
0x177: {  	v19 =	vadd.s32 v24, v28;
	v24 =	vsel vm0, $0x1, v0;
	vm0 =	vlt.f32 v44, v23;
	v16 =	vld [tilespmem:s0+$0x30];
	[tilespmem:s29+$0x70] =	vst v18  }
0x178: {  	v26 =	vtrunc.f32 v49;
	v23 =	vsel vm0, $0x1, v0;
	[tilespmem:s29+$0xFFFFFFC0] =	vst v19;
	v19 =	vadd.s32 v24, v39;
	v36 =	vld [tilespmem:s0+$0xF0]  }
0x179: {  	v27 =	vtrunc.f32 v42;
	v23 =	vadd.s32 v23, v34;
	v24 =	vmul.f32 $5.115000000e+02, v30;
	v18 =	vld [tilespmem:s0+$0x40];
	[tilespmem:s29+$0xFFFFFFD0] =	vst v19  }
0x17a: {  	vm0 =	vlt.f32 v25, v8;
	v8 =	vmovc v20;
	v28 =	vmul.f32 $5.115000000e+02, v31;
	v19 =	vld [tilespmem:s0+$0x50];
	[tilespmem:s29+$0xFFFFFFE0] =	vst v23;
	v23 =	vcvt.f32.s32 v46  }
0x17b: {  	v33 =	vadd.f32 $5.120000000e+02, v24;
	v34 =	vmul.f32 $5.115000000e+02, v32;
	v20 =	vld [tilespmem:s0+$0x60];
	v24 =	vcvt.f32.s32 v47  }
0x17c: {  	v25 =	vcvt.f32.s32 v50;
	v28 =	vadd.f32 $5.120000000e+02, v28;
	v35 =	vmul.f32 $5.115000000e+02, v16  }
0x17d: {  	v33 =	vmax.f32 v33, $0.0e+00;
	v34 =	vadd.f32 $5.120000000e+02, v34;
	v37 =	vmul.f32 $5.115000000e+02, v36  }
0x17e: {  	v42 =	vmax.f32 v28, $0.0e+00;
	v28 =	vadd.f32 $5.120000000e+02, v35;
	v35 =	vmul.f32 $5.115000000e+02, v18  }
.Ltmp0:
0x17f: {  	v40 =	vmax.f32 v34, $0.0e+00;
	v34 =	vmul.f32 $5.115000000e+02, v19;
	v37 =	vadd.f32 $5.120000000e+02, v37;
	(pc) =	sbr.rel @p1 .LBB2_3-.Ltmp0, $4  }
0x180: {  	v39 =	vmax.f32 v28, $0.0e+00;
	v35 =	vadd.f32 $5.120000000e+02, v35;
	v38 =	vmul.f32 $5.115000000e+02, v20;
	v28 =	vld.idx.msk [tilespmem:v23+s5+$0x0], $0xffff  }
0x181: {  	v41 =	vmin.f32 v33, $1.023500000e+03;
	v33 =	vadd.f32 $5.120000000e+02, v34;
	v43 =	vmax.f32 v37, $0.0e+00;
	v37 =	vld.idx.msk [tilespmem:v24+s5+$0x0], $0xffff  }
0x182: {  	v35 =	vmax.f32 v35, $0.0e+00;
	v34 =	vadd.f32 $5.120000000e+02, v38;
	v43 =	vmin.f32 v43, $1.023500000e+03;
	v38 =	vld.idx.msk [tilespmem:v25+s5+$0x0], $0xffff  }
0x183: {  	s0 =	sadd.s32 $0x200, s0;
	v42 =	vmin.f32 v42, $1.023500000e+03;
	v33 =	vmax.f32 v33, $0.0e+00;
	v43 =	vtrunc.f32 v43  }
0x184: {  	v41 =	vtrunc.f32 v41  }
0x185: {  	v40 =	vmin.f32 v40, $1.023500000e+03;
	v42 =	vtrunc.f32 v42;
	v41 =	vcvt.f32.s32 v41  }
0x186: {  	v39 =	vmin.f32 v39, $1.023500000e+03;
	v40 =	vtrunc.f32 v40;
	v42 =	vcvt.f32.s32 v42  }
0x187: {  	v35 =	vmin.f32 v35, $1.023500000e+03;
	v39 =	vtrunc.f32 v39;
	v40 =	vcvt.f32.s32 v40  }
0x188: {  	v35 =	vtrunc.f32 v35;
	v39 =	vcvt.f32.s32 v39  }
0x189: {  	v34 =	vmax.f32 v34, $0.0e+00;
	v35 =	vcvt.f32.s32 v35  }
0x18a: {  	v43 =	vcvt.f32.s32 v43;
	v34 =	vmin.f32 v34, $1.023500000e+03  }
0x18b: {  	v33 =	vmin.f32 v33, $1.023500000e+03;
	v21 =	vcvt.f32.s32 v21;
	v34 =	vtrunc.f32 v34;
	v44 =	vld.idx.msk [tilespmem:v41+s5+$0x0], $0xffff  }
0x18c: {  	v33 =	vtrunc.f32 v33;
	v34 =	vcvt.f32.s32 v34;
	v45 =	vld.idx.msk [tilespmem:v42+s5+$0x0], $0xffff  }
0x18d: {  	v22 =	vcvt.f32.s32 v22;
	v33 =	vcvt.f32.s32 v33;
	v46 =	vld.idx.msk [tilespmem:v40+s5+$0x0], $0xffff  }
0x18e: {  	vm10 =	vlt.f32 v29, v3;
	v26 =	vcvt.f32.s32 v26;
	v27 =	vcvt.f32.s32 v27;
	v62 =	vld.idx.msk [tilespmem:v39+s5+$0x0], $0xffff  }
0x18f: {  	vm12 =	vlt.f32 v17, v2;
	vm15 =	vlt.f32 v15, v1;
	vm2 =	vlt.f32 v37, v12;
	v37 =	vld.idx.msk [tilespmem:v35+s5+$0x0], $0xffff  }
0x190: {  	v54 =	vsel vm0, $0x1, v0;
	vm5 =	vlt.f32 v28, v11;
	vm1 =	vlt.f32 v44, v30  }
0x191: {  	vm3 =	vlt.f32 v38, v13;
	v47 =	vld.idx.msk [tilespmem:v43+s5+$0x0], $0xffff;
	vm4 =	vlt.f32 v45, v31;
	v63 =	vsel vm1, $0x1, v0  }
0x192: {  	v44 =	vld.idx.msk [tilespmem:v34+s5+$0x0], $0xffff;
	vm9 =	vlt.f32 v46, v32;
	v38 =	vsel vm4, $0x1, v0;
	v12 =	vadd.s32 v63, v41  }
0x193: {  	vm11 =	vlt.f32 v62, v16;
	v41 =	vld.idx.msk [tilespmem:v33+s5+$0x0], $0xffff;
	v28 =	vadd.s32 v38, v42;
	v42 =	vsel vm9, $0x1, v0;
	[tilespmem:s30+$0x0] =	vst v12  }
0x194: {  	vm7 =	vlt.f32 v37, v18;
	v2 =	vsel vm11, $0x1, v0;
	v45 =	vadd.s32 v42, v40;
	[tilespmem:s30+$0x10] =	vst v28;
	v28 =	vld [tilespmem:s28+$0x80]  }
0x195: {  	v55 =	vsel vm10, $0x1, v0;
	v46 =	vsel vm7, $0x1, v0;
	v2 =	vadd.s32 v2, v39;
	[tilespmem:s30+$0x20] =	vst v45;
	v29 =	vld [tilespmem:s28+$0x90]  }
0x196: {  	v7 =	vadd.s32 v54, v7;
	v6 =	vadd.s32 v55, v6;
	v11 =	vadd.s32 v46, v35;
	[tilespmem:s30+$0x30] =	vst v2;
	v31 =	vld [tilespmem:s28+$0xA0]  }
0x197: {  	v53 =	vsel vm3, $0x1, v0;
	vm6 =	vlt.f32 v47, v36;
	[tilespmem:s30+$0x40] =	vst v11;
	v11 =	vld [tilespmem:s28+$0xB0];
	vm14 =	vlt.f32 v44, v20  }
0x198: {  	v47 =	vsel vm5, $0x1, v0;
	v3 =	vsel vm6, $0x1, v0;
	v1 =	vsel vm14, $0x1, v0  }
0x199: {  	v13 =	vadd.s32 v47, v23;
	vm13 =	vlt.f32 v41, v19;
	v1 =	vadd.s32 v1, v34  }
0x19a: {  	v3 =	vadd.s32 v3, v43;
	v48 =	vsel vm13, $0x1, v0;
	[tilespmem:s30+$0x60] =	vst v1;
	v49 =	vmul.f32 $5.115000000e+02, v28  }
0x19b: {  	v16 =	vadd.s32 v48, v33;
	v50 =	vmul.f32 $5.115000000e+02, v29;
	v1 =	vld [tilespmem:s28+$0xE0];
	v51 =	vmul.f32 $5.115000000e+02, v31  }
0x19c: {  	v2 =	vsel vm2, $0x1, v0;
	[tilespmem:s30+$0x50] =	vst v16;
	v16 =	vld [tilespmem:s28+$0xC0];
	v56 =	vmul.f32 $5.115000000e+02, v11;
	v52 =	vadd.f32 $5.120000000e+02, v49  }
0x19d: {  	v2 =	vadd.s32 v2, v24;
	v17 =	vld [tilespmem:s28+$0xD0];
	v12 =	vadd.f32 $5.120000000e+02, v50;
	v18 =	vadd.f32 $5.120000000e+02, v51  }
0x19e: {  	v19 =	vadd.s32 v53, v25;
	v32 =	vadd.f32 $5.120000000e+02, v56;
	v15 =	vmax.f32 v52, $0.0e+00  }
0x19f: {  	v12 =	vmax.f32 v12, $0.0e+00;
	v18 =	vmax.f32 v18, $0.0e+00;
	v15 =	vmin.f32 v15, $1.023500000e+03  }
0x1a0: {  	v12 =	vmin.f32 v12, $1.023500000e+03;
	v59 =	vmul.f32 $5.115000000e+02, v1;
	v62 =	vmax.f32 v32, $0.0e+00  }
0x1a1: {  	v57 =	vmul.f32 $5.115000000e+02, v16;
	v15 =	vtrunc.f32 v15;
	v18 =	vmin.f32 v18, $1.023500000e+03  }
0x1a2: {  	v12 =	vtrunc.f32 v12;
	v25 =	vmin.f32 v62, $1.023500000e+03;
	v58 =	vmul.f32 $5.115000000e+02, v17  }
0x1a3: {  	v15 =	vcvt.f32.s32 v15;
	v18 =	vtrunc.f32 v18;
	v23 =	vadd.f32 $5.120000000e+02, v59  }
0x1a4: {  	v12 =	vcvt.f32.s32 v12;
	v60 =	vadd.f32 $5.120000000e+02, v57;
	v61 =	vadd.f32 $5.120000000e+02, v58  }
0x1a5: {  	[tilespmem:s29+$0xF0] =	vst v3;
	v37 =	vtrunc.f32 v25;
	v18 =	vcvt.f32.s32 v18;
	v3 =	vmax.f32 v23, $0.0e+00  }
0x1a6: {  	v42 =	vld.idx.msk [tilespmem:v21+s5+$0x0], $0xffff;
	[tilespmem:s26+$0x90] =	vst v2;
	v24 =	vmax.f32 v60, $0.0e+00;
	v2 =	vmin.f32 v3, $1.023500000e+03;
	v63 =	vmax.f32 v61, $0.0e+00  }
0x1a7: {  	v44 =	vld.idx.msk [tilespmem:v22+s5+$0x0], $0xffff;
	v36 =	vmin.f32 v24, $1.023500000e+03;
	v24 =	vcvt.f32.s32 v37;
	v2 =	vtrunc.f32 v2  }
0x1a8: {  	[tilespmem:s25+$0xB0] =	vst v7;
	v46 =	vld.idx.msk [tilespmem:v26+s5+$0x0], $0xffff;
	v39 =	vmin.f32 v63, $1.023500000e+03;
	v23 =	vtrunc.f32 v36;
	v2 =	vcvt.f32.s32 v2  }
0x1a9: {  	[tilespmem:s25+$0xC0] =	vst v6;
	v47 =	vld.idx.msk [tilespmem:v27+s5+$0x0], $0xffff;
	v43 =	vsel vm12, $0x1, v0;
	v3 =	vtrunc.f32 v39;
	v23 =	vcvt.f32.s32 v23  }
0x1aa: {  	[tilespmem:s26+$0x80] =	vst v13;
	v4 =	vadd.s32 v43, v4;
	v45 =	vsel vm15, $0x1, v0;
	v38 =	vld.idx.msk [tilespmem:v15+s5+$0x0], $0xffff;
	v3 =	vcvt.f32.s32 v3  }
0x1ab: {  	[tilespmem:s25+$0xD0] =	vst v4;
	v5 =	vadd.s32 v45, v5;
	vm8 =	vlt.f32 v42, v8;
	v40 =	vld.idx.msk [tilespmem:v12+s5+$0x0], $0xffff  }
0x1ac: {  	[tilespmem:s25+$0xE0] =	vst v5;
	v54 =	vsel vm8, $0x1, v0;
	vm9 =	vlt.f32 v44, v14;
	v41 =	vld.idx.msk [tilespmem:v18+s5+$0x0], $0xffff  }
0x1ad: {  	[tilespmem:s26+$0xA0] =	vst v19;
	vm10 =	vlt.f32 v46, v10;
	v7 =	vadd.s32 v54, v21;
	v56 =	vsel vm9, $0x1, v0;
	v51 =	vld.idx.msk [tilespmem:v24+s5+$0x0], $0xffff  }
0x1ae: {  	vm11 =	vlt.f32 v47, v9;
	[tilespmem:s26+$0xB0] =	vst v7;
	v6 =	vadd.s32 v56, v22;
	v58 =	vsel vm10, $0x1, v0;
	v57 =	vld.idx.msk [tilespmem:v2+s5+$0x0], $0xffff  }
0x1af: {  	[tilespmem:s26+$0xC0] =	vst v6;
	v59 =	vsel vm11, $0x1, v0;
	v4 =	vadd.s32 v58, v26;
	vm5 =	vlt.f32 v38, v28;
	v53 =	vld.idx.msk [tilespmem:v23+s5+$0x0], $0xffff  }
0x1b0: {  	v60 =	vadd.s32 v59, v27;
	[tilespmem:s26+$0xD0] =	vst v4;
	vm6 =	vlt.f32 v40, v29;
	v48 =	vsel vm5, $0x1, v0;
	v55 =	vld.idx.msk [tilespmem:v3+s5+$0x0], $0xffff  }
0x1b1: {  	[tilespmem:s26+$0xE0] =	vst v60;
	vm7 =	vlt.f32 v41, v31;
	v49 =	vsel vm6, $0x1, v0;
	v50 =	vadd.s32 v48, v15  }
0x1b2: {  	v52 =	vsel vm7, $0x1, v0;
	v5 =	vadd.s32 v49, v12;
	[tilespmem:s30+$0x80] =	vst v50;
	vm12 =	vlt.f32 v51, v11  }
0x1b3: {  	v8 =	vadd.s32 v52, v18;
	[tilespmem:s30+$0x90] =	vst v5;
	v61 =	vsel vm12, $0x1, v0;
	vm15 =	vlt.f32 v57, v1  }
0x1b4: {  	p1 =	sne.s32 s22, $0xF;
	[tilespmem:s30+$0xA0] =	vst v8;
	vm13 =	vlt.f32 v53, v16;
	v4 =	vadd.s32 v61, v24;
	v63 =	vsel vm15, $0x1, v0  }
.Ltmp1:
0x1b5: {  	vm14 =	vlt.f32 v55, v17;
	v62 =	vsel vm13, $0x1, v0;
	[tilespmem:s30+$0xB0] =	vst v4;
	v2 =	vadd.s32 v63, v2;
	(pc) =	sbr.rel @p1 .LBB2_6-.Ltmp1, $4  }
0x1b6: {  	s0 =	sadd.s32 s7, s22;
	v1 =	vsel vm14, $0x1, v0;
	v5 =	vadd.s32 v62, v23;
	[tilespmem:s30+$0xE0] =	vst v2  }
0x1b7: {  	s0 =	sshll.u32 s0, $0xC;
	[tilespmem:s30+$0xC0] =	vst v5;
	v1 =	vadd.s32 v1, v3  }
0x1b8: {  	s0 =	sadd.s32 s4, s0;
	[tilespmem:s30+$0xD0] =	vst v1  }
0x1b9: {  	[hbm4b:s0+s11] =	stream.strided.scatter [tilespmem:s16], [sflag:$0x3], $0x4000, s12, s11, $0x38;
	[tilespmem:$0x10400] =	vst v63  }
.Ltmp2:
0x1ba: {  	(pc) =	sbr.rel .LBB2_7-.Ltmp2, $4  }
0x1bb: {  	_ = 	snop  }
0x1bc: {  	_ =	swait.ge [sflag:s17], $0x4000  }
0x1bd: {  	[sflag:s17] =	ssyncset.done $0x0  }
0x1be: {  	[sflag:s17] =	ssyncadd.s32 $0xFFFFC000  }
.LBB2_6:
.Ltmp3:
0x1bf: {  	s0 =	sadd.s32 s24, s8;
	(pc) =	sbr.rel @p0 .LBB2_8-.Ltmp3, $4  }
0x1c0: {  	[tilespmem:s12], [sflag:$0x1] =	stream.strided.gather [hbm4b:s0+s11], $0x4000, s12, s11, $0x38;
	[tilespmem:$0x10400] =	vst v63  }
0x1c1: {  	_ =	swait.ge [sflag:s17], $0x4000  }
0x1c2: {  	[sflag:s17] =	ssyncset.done $0x0  }
0x1c3: {  	[sflag:s17] =	ssyncadd.s32 $0xFFFFC000  }
.LBB2_7:
0x1c4: {  	_ =	swait.ge [sflag:s18], $0x4000  }
0x1c5: {  	[sflag:s18] =	ssyncset.done $0x0  }
0x1c6: {  	[sflag:s18] =	ssyncadd.s32 $0xFFFFC000  }
.LBB2_8:
0x1c7: {  	s0 =	simm.s32 $0x4500  }
0x1c8: {  	v1 =	vld [tilespmem:s0+$0xFFFFFF70];
	_ =	sdelay $0x4  }
0x1c9: {  	v2 =	vmul.f32 $5.115000000e+02, v1;
	_ =	sdelay $0x1  }
0x1ca: {  	v2 =	vadd.f32 $5.120000000e+02, v2;
	_ =	sdelay $0x1  }
0x1cb: {  	v2 =	vmax.f32 v2, $0.0e+00  }
0x1cc: {  	v2 =	vmin.f32 v2, $1.023500000e+03  }
0x1cd: {  	v2 =	vtrunc.f32 v2  }
0x1ce: {  	v2 =	vcvt.f32.s32 v2  }
0x1cf: {  	v3 =	vld [tilespmem:s0+$0xFFFFFF10]  }
0x1d0: {  	v4 =	vld [tilespmem:s0+$0xFFFFFF20]  }
0x1d1: {  	v5 =	vld [tilespmem:s0+$0xFFFFFF30]  }
0x1d2: {  	v6 =	vld [tilespmem:s0+$0xFFFFFF40]  }
0x1d3: {  	v12 =	vld [tilespmem:s0+$0xFFFFFF60]  }
0x1d4: {  	v8 =	vld.idx.msk [tilespmem:v2+s5+$0x0], $0xffff  }
0x1d5: {  	v9 =	vld [tilespmem:s0+$0xFFFFFF00]  }
0x1d6: {  	v10 =	vmul.f32 $5.115000000e+02, v3  }
0x1d7: {  	v11 =	vmul.f32 $5.115000000e+02, v4;
	v13 =	vmul.f32 $5.115000000e+02, v5  }
0x1d8: {  	v14 =	vmul.f32 $5.115000000e+02, v6;
	v16 =	vmul.f32 $5.115000000e+02, v12  }
0x1d9: {  	v10 =	vadd.f32 $5.120000000e+02, v10;
	v13 =	vadd.f32 $5.120000000e+02, v13;
	vm0 =	vlt.f32 v8, v1  }
0x1da: {  	v7 =	vld [tilespmem:s0+$0xFFFFFF50];
	v14 =	vadd.f32 $5.120000000e+02, v14;
	v8 =	vmul.f32 $5.115000000e+02, v9;
	v15 =	vsel vm0, $0x1, v0  }
0x1db: {  	s24 =	simm.s32 $0xC500;
	v11 =	vadd.f32 $5.120000000e+02, v11;
	v10 =	vmax.f32 v10, $0.0e+00;
	v2 =	vadd.s32 v15, v2  }
0x1dc: {  	v13 =	vmax.f32 v13, $0.0e+00;
	v14 =	vmax.f32 v14, $0.0e+00;
	v8 =	vadd.f32 $5.120000000e+02, v8;
	[tilespmem:s24+$0xFFFFFF70] =	vst v2  }
0x1dd: {  	v10 =	vmin.f32 v10, $1.023500000e+03;
	v13 =	vmin.f32 v13, $1.023500000e+03;
	v14 =	vmin.f32 v14, $1.023500000e+03;
	v15 =	vld [tilespmem:s0+$0xFFFFFFF0]  }
0x1de: {  	v10 =	vtrunc.f32 v10;
	v13 =	vtrunc.f32 v13;
	v8 =	vmax.f32 v8, $0.0e+00  }
0x1df: {  	v14 =	vtrunc.f32 v14;
	v1 =	vmul.f32 $5.115000000e+02, v7;
	v8 =	vmin.f32 v8, $1.023500000e+03  }
0x1e0: {  	v10 =	vcvt.f32.s32 v10;
	v2 =	vmax.f32 v11, $0.0e+00;
	v8 =	vtrunc.f32 v8  }
0x1e1: {  	v1 =	vadd.f32 $5.120000000e+02, v1;
	v2 =	vmin.f32 v2, $1.023500000e+03;
	v8 =	vcvt.f32.s32 v8  }
0x1e2: {  	v11 =	vadd.f32 $5.120000000e+02, v16;
	v2 =	vtrunc.f32 v2;
	v16 =	vmul.f32 $5.115000000e+02, v15  }
0x1e3: {  	v13 =	vcvt.f32.s32 v13;
	v1 =	vmax.f32 v1, $0.0e+00;
	v2 =	vcvt.f32.s32 v2  }
0x1e4: {  	v11 =	vmax.f32 v11, $0.0e+00;
	v1 =	vmin.f32 v1, $1.023500000e+03;
	v16 =	vadd.f32 $5.120000000e+02, v16  }
0x1e5: {  	v14 =	vcvt.f32.s32 v14;
	v11 =	vmin.f32 v11, $1.023500000e+03;
	v1 =	vtrunc.f32 v1  }
0x1e6: {  	v11 =	vtrunc.f32 v11;
	v1 =	vcvt.f32.s32 v1;
	v16 =	vmax.f32 v16, $0.0e+00  }
0x1e7: {  	v11 =	vcvt.f32.s32 v11;
	v17 =	vld.idx.msk [tilespmem:v8+s5+$0x0], $0xffff;
	v16 =	vmin.f32 v16, $1.023500000e+03  }
0x1e8: {  	v18 =	vld.idx.msk [tilespmem:v10+s5+$0x0], $0xffff;
	v16 =	vtrunc.f32 v16  }
0x1e9: {  	v19 =	vld.idx.msk [tilespmem:v2+s5+$0x0], $0xffff;
	v16 =	vcvt.f32.s32 v16  }
0x1ea: {  	v20 =	vld.idx.msk [tilespmem:v13+s5+$0x0], $0xffff  }
0x1eb: {  	v21 =	vld.idx.msk [tilespmem:v14+s5+$0x0], $0xffff  }
0x1ec: {  	v22 =	vld.idx.msk [tilespmem:v1+s5+$0x0], $0xffff;
	vm0 =	vlt.f32 v17, v9  }
0x1ed: {  	v9 =	vld.idx.msk [tilespmem:v11+s5+$0x0], $0xffff;
	v17 =	vsel vm0, $0x1, v0;
	vm0 =	vlt.f32 v18, v3  }
0x1ee: {  	v3 =	vsel vm0, $0x1, v0;
	vm0 =	vlt.f32 v19, v4;
	v4 =	vadd.s32 v17, v8  }
0x1ef: {  	v8 =	vsel vm0, $0x1, v0;
	vm0 =	vlt.f32 v20, v5;
	[tilespmem:s24+$0xFFFFFF00] =	vst v4;
	v3 =	vadd.s32 v3, v10;
	v4 =	vld.idx.msk [tilespmem:v16+s5+$0x0], $0xffff  }
0x1f0: {  	v5 =	vsel vm0, $0x1, v0;
	vm0 =	vlt.f32 v21, v6;
	v2 =	vadd.s32 v8, v2;
	v6 =	vld [tilespmem:s0+$0xFFFFFF80];
	[tilespmem:s24+$0xFFFFFF10] =	vst v3  }
0x1f1: {  	v3 =	vsel vm0, $0x1, v0;
	vm0 =	vlt.f32 v22, v7;
	v5 =	vadd.s32 v5, v13;
	v7 =	vld [tilespmem:s0+$0xFFFFFF90];
	[tilespmem:s24+$0xFFFFFF20] =	vst v2  }
0x1f2: {  	v2 =	vsel vm0, $0x1, v0;
	vm0 =	vlt.f32 v9, v12;
	v3 =	vadd.s32 v3, v14;
	v8 =	vld [tilespmem:s0+$0xFFFFFFA0];
	[tilespmem:s24+$0xFFFFFF30] =	vst v5  }
0x1f3: {  	v5 =	vsel vm0, $0x1, v0;
	v1 =	vadd.s32 v2, v1;
	[tilespmem:s24+$0xFFFFFF40] =	vst v3;
	v2 =	vld [tilespmem:s0+$0xFFFFFFB0]  }
0x1f4: {  	v3 =	vadd.s32 v5, v11;
	[tilespmem:s24+$0xFFFFFF50] =	vst v1;
	v1 =	vld [tilespmem:s0+$0xFFFFFFC0]  }
0x1f5: {  	vm0 =	vlt.f32 v4, v15;
	[tilespmem:s24+$0xFFFFFF60] =	vst v3;
	v3 =	vld [tilespmem:s0+$0xFFFFFFD0]  }
0x1f6: {  	v4 =	vmul.f32 $5.115000000e+02, v6;
	v5 =	vsel vm0, $0x1, v0;
	v9 =	vmul.f32 $5.115000000e+02, v7  }
0x1f7: {  	v5 =	vadd.s32 v5, v16;
	v11 =	vmul.f32 $5.115000000e+02, v8  }
0x1f8: {  	v4 =	vadd.f32 $5.120000000e+02, v4;
	[tilespmem:s24+$0xFFFFFFF0] =	vst v5;
	v5 =	vadd.f32 $5.120000000e+02, v9;
	v9 =	vmul.f32 $5.115000000e+02, v2  }
0x1f9: {  	v11 =	vadd.f32 $5.120000000e+02, v11;
	v13 =	vmul.f32 $5.115000000e+02, v1  }
0x1fa: {  	v12 =	vld [tilespmem:s0+$0x70];
	v4 =	vmax.f32 v4, $0.0e+00;
	v9 =	vadd.f32 $5.120000000e+02, v9;
	v14 =	vmul.f32 $5.115000000e+02, v3  }
0x1fb: {  	v5 =	vmax.f32 v5, $0.0e+00;
	v4 =	vmin.f32 v4, $1.023500000e+03;
	v13 =	vadd.f32 $5.120000000e+02, v13  }
0x1fc: {  	v11 =	vmax.f32 v11, $0.0e+00;
	v5 =	vmin.f32 v5, $1.023500000e+03;
	v4 =	vtrunc.f32 v4  }
0x1fd: {  	v10 =	vld [tilespmem:s0+$0xFFFFFFE0];
	v9 =	vmax.f32 v9, $0.0e+00;
	v11 =	vmin.f32 v11, $1.023500000e+03;
	v5 =	vtrunc.f32 v5  }
0x1fe: {  	v14 =	vadd.f32 $5.120000000e+02, v14;
	v4 =	vcvt.f32.s32 v4;
	v11 =	vtrunc.f32 v11  }
0x1ff: {  	v9 =	vmin.f32 v9, $1.023500000e+03;
	v5 =	vcvt.f32.s32 v5;
	v16 =	vmul.f32 $5.115000000e+02, v12  }
0x200: {  	s29 =	simm.s32 $0x4700;
	v13 =	vmax.f32 v13, $0.0e+00;
	v9 =	vtrunc.f32 v9;
	v11 =	vcvt.f32.s32 v11  }
0x201: {  	v23 =	vld [tilespmem:s29+$0xFFFFFF50];
	v13 =	vmin.f32 v13, $1.023500000e+03;
	v9 =	vcvt.f32.s32 v9;
	v16 =	vadd.f32 $5.120000000e+02, v16  }
0x202: {  	v25 =	vld [tilespmem:s29+$0xFFFFFF00];
	v15 =	vmul.f32 $5.115000000e+02, v10;
	v14 =	vmax.f32 v14, $0.0e+00;
	v13 =	vtrunc.f32 v13  }
0x203: {  	v26 =	vld [tilespmem:s29+$0xFFFFFF60];
	v14 =	vmin.f32 v14, $1.023500000e+03;
	v13 =	vcvt.f32.s32 v13;
	v16 =	vmax.f32 v16, $0.0e+00  }
0x204: {  	v15 =	vadd.f32 $5.120000000e+02, v15;
	v14 =	vtrunc.f32 v14;
	v17 =	vld.idx.msk [tilespmem:v4+s5+$0x0], $0xffff;
	v16 =	vmin.f32 v16, $1.023500000e+03  }
0x205: {  	v14 =	vcvt.f32.s32 v14;
	v18 =	vld.idx.msk [tilespmem:v5+s5+$0x0], $0xffff;
	v16 =	vtrunc.f32 v16  }
0x206: {  	v15 =	vmax.f32 v15, $0.0e+00;
	v19 =	vld.idx.msk [tilespmem:v11+s5+$0x0], $0xffff;
	v16 =	vcvt.f32.s32 v16  }
0x207: {  	v30 =	vmul.f32 $5.115000000e+02, v23;
	v15 =	vmin.f32 v15, $1.023500000e+03;
	v20 =	vld.idx.msk [tilespmem:v9+s5+$0x0], $0xffff  }
0x208: {  	v31 =	vmul.f32 $5.115000000e+02, v25;
	v15 =	vtrunc.f32 v15  }
0x209: {  	v32 =	vmul.f32 $5.115000000e+02, v26;
	v15 =	vcvt.f32.s32 v15;
	v22 =	vld.idx.msk [tilespmem:v13+s5+$0x0], $0xffff;
	vm0 =	vlt.f32 v17, v6  }
0x20a: {  	v30 =	vadd.f32 $5.120000000e+02, v30;
	v6 =	vsel vm0, $0x1, v0;
	vm0 =	vlt.f32 v18, v7  }
0x20b: {  	v17 =	vld.idx.msk [tilespmem:v14+s5+$0x0], $0xffff;
	v4 =	vadd.s32 v6, v4;
	v6 =	vsel vm0, $0x1, v0;
	vm0 =	vlt.f32 v19, v8  }
0x20c: {  	[tilespmem:s24+$0xFFFFFF80] =	vst v4;
	v4 =	vadd.s32 v6, v5;
	v6 =	vsel vm0, $0x1, v0;
	vm0 =	vlt.f32 v20, v2;
	v21 =	vld.idx.msk [tilespmem:v16+s5+$0x0], $0xffff  }
0x20d: {  	v31 =	vadd.f32 $5.120000000e+02, v31;
	v5 =	vld [tilespmem:s0+$0x0];
	[tilespmem:s24+$0xFFFFFF90] =	vst v4;
	v2 =	vadd.s32 v6, v11;
	v4 =	vsel vm0, $0x1, v0  }
0x20e: {  	v32 =	vadd.f32 $5.120000000e+02, v32;
	vm1 =	vlt.f32 v22, v1;
	v22 =	vld [tilespmem:s29+$0xFFFFFF40];
	[tilespmem:s24+$0xFFFFFFA0] =	vst v2;
	v2 =	vadd.s32 v4, v9  }
0x20f: {  	v30 =	vmax.f32 v30, $0.0e+00;
	v31 =	vmax.f32 v31, $0.0e+00;
	v18 =	vld.idx.msk [tilespmem:v15+s5+$0x0], $0xffff;
	[tilespmem:s24+$0xFFFFFFB0] =	vst v2;
	v2 =	vsel vm1, $0x1, v0  }
0x210: {  	v32 =	vmax.f32 v32, $0.0e+00;
	v31 =	vmin.f32 v31, $1.023500000e+03;
	v6 =	vld [tilespmem:s0+$0x10];
	v2 =	vadd.s32 v2, v13  }
0x211: {  	v30 =	vmin.f32 v30, $1.023500000e+03;
	v32 =	vmin.f32 v32, $1.023500000e+03;
	v31 =	vtrunc.f32 v31;
	v7 =	vld [tilespmem:s0+$0x20];
	[tilespmem:s24+$0xFFFFFFC0] =	vst v2  }
0x212: {  	v30 =	vtrunc.f32 v30;
	vm0 =	vlt.f32 v21, v12;
	v9 =	vmul.f32 $5.115000000e+02, v5;
	v2 =	vld [tilespmem:s0+$0x40]  }
0x213: {  	v21 =	vld [tilespmem:s29+$0xFFFFFF20];
	v29 =	vmul.f32 $5.115000000e+02, v22;
	v1 =	vsel vm0, $0x1, v0;
	vm0 =	vlt.f32 v17, v3  }
0x214: {  	v3 =	vadd.s32 v1, v16;
	v1 =	vld [tilespmem:s0+$0x30];
	v4 =	vsel vm0, $0x1, v0;
	vm0 =	vlt.f32 v18, v10  }
0x215: {  	v10 =	vmul.f32 $5.115000000e+02, v6;
	[tilespmem:s24+$0x70] =	vst v3;
	v3 =	vadd.s32 v4, v14;
	v4 =	vsel vm0, $0x1, v0;
	v14 =	vld [tilespmem:s29+$0xFFFFFF70]  }
0x216: {  	v11 =	vmul.f32 $5.115000000e+02, v7;
	v29 =	vadd.f32 $5.120000000e+02, v29;
	v8 =	vld [tilespmem:s0+$0xF0];
	[tilespmem:s24+$0xFFFFFFD0] =	vst v3;
	v4 =	vadd.s32 v4, v15  }
0x217: {  	v31 =	vcvt.f32.s32 v31;
	v30 =	vcvt.f32.s32 v30;
	v10 =	vadd.f32 $5.120000000e+02, v10;
	v3 =	vld [tilespmem:s0+$0x50];
	[tilespmem:s24+$0xFFFFFFE0] =	vst v4  }
0x218: {  	v11 =	vadd.f32 $5.120000000e+02, v11;
	v29 =	vmax.f32 v29, $0.0e+00;
	v4 =	vadd.f32 $5.120000000e+02, v9;
	v9 =	vld [tilespmem:s0+$0x60]  }
0x219: {  	v15 =	vmul.f32 $5.115000000e+02, v2;
	v27 =	vmul.f32 $5.115000000e+02, v21;
	v29 =	vmin.f32 v29, $1.023500000e+03  }
0x21a: {  	v10 =	vmax.f32 v10, $0.0e+00;
	v29 =	vtrunc.f32 v29;
	v19 =	vmul.f32 $5.115000000e+02, v14  }
0x21b: {  	v11 =	vmax.f32 v11, $0.0e+00;
	v12 =	vmul.f32 $5.115000000e+02, v1;
	v13 =	vmul.f32 $5.115000000e+02, v8  }
0x21c: {  	v4 =	vmax.f32 v4, $0.0e+00;
	v16 =	vmul.f32 $5.115000000e+02, v3;
	v19 =	vadd.f32 $5.120000000e+02, v19  }
0x21d: {  	v15 =	vadd.f32 $5.120000000e+02, v15;
	v13 =	vadd.f32 $5.120000000e+02, v13;
	v17 =	vmul.f32 $5.115000000e+02, v9  }
0x21e: {  	v18 =	vmin.f32 v4, $1.023500000e+03;
	v4 =	vadd.f32 $5.120000000e+02, v16;
	v19 =	vmax.f32 v19, $0.0e+00  }
0x21f: {  	v13 =	vmax.f32 v13, $0.0e+00;
	v16 =	vadd.f32 $5.120000000e+02, v17;
	v17 =	vld [tilespmem:s29+$0xFFFFFF10];
	v19 =	vmin.f32 v19, $1.023500000e+03  }
0x220: {  	v10 =	vmin.f32 v10, $1.023500000e+03;
	v13 =	vmin.f32 v13, $1.023500000e+03;
	v19 =	vtrunc.f32 v19  }
0x221: {  	v20 =	vmax.f32 v4, $0.0e+00;
	v4 =	vtrunc.f32 v13;
	v13 =	vld [tilespmem:s29+$0xFFFFFF30];
	v19 =	vcvt.f32.s32 v19  }
0x222: {  	v11 =	vmin.f32 v11, $1.023500000e+03;
	v27 =	vadd.f32 $5.120000000e+02, v27;
	v29 =	vcvt.f32.s32 v29  }
0x223: {  	v10 =	vtrunc.f32 v10;
	v11 =	vtrunc.f32 v11;
	v12 =	vadd.f32 $5.120000000e+02, v12  }
0x224: {  	v15 =	vmax.f32 v15, $0.0e+00;
	v10 =	vcvt.f32.s32 v10;
	v24 =	vmul.f32 $5.115000000e+02, v17  }
0x225: {  	v18 =	vtrunc.f32 v18;
	v27 =	vmax.f32 v27, $0.0e+00;
	v4 =	vcvt.f32.s32 v4  }
0x226: {  	v18 =	vcvt.f32.s32 v18;
	v24 =	vadd.f32 $5.120000000e+02, v24;
	v28 =	vmul.f32 $5.115000000e+02, v13  }
0x227: {  	v11 =	vcvt.f32.s32 v11;
	v15 =	vmin.f32 v15, $1.023500000e+03;
	v27 =	vmin.f32 v27, $1.023500000e+03;
	v33 =	vld.idx.msk [tilespmem:v19+s5+$0x0], $0xffff  }
0x228: {  	s26 =	simm.s32 $0x4900;
	v27 =	vtrunc.f32 v27;
	v28 =	vadd.f32 $5.120000000e+02, v28;
	v24 =	vmax.f32 v24, $0.0e+00  }
0x229: {  	v41 =	vld [tilespmem:s26+$0xFFFFFF50];
	v12 =	vmax.f32 v12, $0.0e+00;
	v27 =	vcvt.f32.s32 v27;
	v24 =	vmin.f32 v24, $1.023500000e+03  }
0x22a: {  	v15 =	vtrunc.f32 v15;
	v35 =	vld.idx.msk [tilespmem:v10+s5+$0x0], $0xffff;
	v28 =	vmax.f32 v28, $0.0e+00;
	v24 =	vtrunc.f32 v24  }
0x22b: {  	v12 =	vmin.f32 v12, $1.023500000e+03;
	v34 =	vld.idx.msk [tilespmem:v4+s5+$0x0], $0xffff;
	v28 =	vmin.f32 v28, $1.023500000e+03;
	v24 =	vcvt.f32.s32 v24  }
0x22c: {  	v15 =	vcvt.f32.s32 v15;
	vm0 =	vlt.f32 v33, v14;
	v14 =	vld.idx.msk [tilespmem:v18+s5+$0x0], $0xffff;
	v28 =	vtrunc.f32 v28  }
0x22d: {  	v36 =	vld.idx.msk [tilespmem:v31+s5+$0x0], $0xffff;
	v16 =	vmax.f32 v16, $0.0e+00;
	v33 =	vsel vm0, $0x1, v0;
	v28 =	vcvt.f32.s32 v28  }
0x22e: {  	s25 =	simm.s32 $0xC700;
	v12 =	vtrunc.f32 v12;
	v50 =	vld.idx.msk [tilespmem:v11+s5+$0x0], $0xffff;
	v16 =	vmin.f32 v16, $1.023500000e+03;
	v19 =	vadd.s32 v33, v19  }
0x22f: {  	v12 =	vcvt.f32.s32 v12;
	v16 =	vtrunc.f32 v16;
	v37 =	vld.idx.msk [tilespmem:v27+s5+$0x0], $0xffff;
	vm1 =	vlt.f32 v35, v6;
	[tilespmem:s25+$0xFFFFFF70] =	vst v19  }
0x230: {  	vm0 =	vlt.f32 v34, v8;
	v19 =	vmin.f32 v20, $1.023500000e+03;
	v20 =	vtrunc.f32 v32;
	v51 =	vld [tilespmem:s29+$0xFFFFFFF0]  }
0x231: {  	v8 =	vsel vm0, $0x1, v0;
	v20 =	vcvt.f32.s32 v20;
	v52 =	vld.idx.msk [tilespmem:v24+s5+$0x0], $0xffff;
	vm0 =	vlt.f32 v14, v5  }
0x232: {  	v19 =	vtrunc.f32 v19;
	v6 =	vsel vm0, $0x1, v0;
	vm0 =	vlt.f32 v36, v25;
	v36 =	vld [tilespmem:s26+$0xFFFFFF10]  }
0x233: {  	v16 =	vcvt.f32.s32 v16;
	v14 =	vcvt.f32.s32 v19;
	v5 =	vld.idx.msk [tilespmem:v28+s5+$0x0], $0xffff  }
0x234: {  	vm2 =	vlt.f32 v50, v7;
	v25 =	vsel vm0, $0x1, v0;
	vm0 =	vlt.f32 v37, v21;
	v21 =	vld.idx.msk [tilespmem:v15+s5+$0x0], $0xffff  }
0x235: {  	v7 =	vld.idx.msk [tilespmem:v29+s5+$0x0], $0xffff;
	v33 =	vsel vm2, $0x1, v0;
	v19 =	vsel vm1, $0x1, v0;
	v53 =	vmul.f32 $5.115000000e+02, v51  }
0x236: {  	v38 =	vld.idx.msk [tilespmem:v30+s5+$0x0], $0xffff;
	v11 =	vadd.s32 v33, v11;
	v10 =	vadd.s32 v19, v10;
	v6 =	vadd.s32 v6, v18  }
0x237: {  	v55 =	vsel vm0, $0x1, v0;
	v18 =	vld.idx.msk [tilespmem:v20+s5+$0x0], $0xffff;
	vm1 =	vlt.f32 v52, v17;
	v19 =	vadd.f32 $5.120000000e+02, v53  }
0x238: {  	v17 =	vld.idx.msk [tilespmem:v12+s5+$0x0], $0xffff;
	v54 =	vsel vm1, $0x1, v0;
	v42 =	vmul.f32 $5.115000000e+02, v36;
	v53 =	vmul.f32 $5.115000000e+02, v41  }
0x239: {  	[tilespmem:s24+$0x20] =	vst v11;
	vm0 =	vlt.f32 v5, v13;
	v13 =	vld.idx.msk [tilespmem:v14+s5+$0x0], $0xffff;
	vm1 =	vlt.f32 v21, v2;
	v19 =	vmax.f32 v19, $0.0e+00  }
0x23a: {  	[tilespmem:s24+$0x0] =	vst v6;
	v5 =	vmin.f32 v19, $1.023500000e+03;
	v19 =	vsel vm0, $0x1, v0;
	vm0 =	vlt.f32 v7, v22;
	v22 =	vld.idx.msk [tilespmem:v16+s5+$0x0], $0xffff  }
0x23b: {  	[tilespmem:s24+$0x10] =	vst v10;
	v2 =	vsel vm1, $0x1, v0;
	v7 =	vadd.s32 v25, v31;
	v6 =	vtrunc.f32 v5;
	v5 =	vld [tilespmem:s0+$0x80]  }
0x23c: {  	v10 =	vsel vm0, $0x1, v0;
	vm0 =	vlt.f32 v38, v23;
	[tilespmem:s25+$0xFFFFFF00] =	vst v7;
	v7 =	vld [tilespmem:s0+$0xA0];
	v11 =	vcvt.f32.s32 v6  }
0x23d: {  	v23 =	vsel vm0, $0x1, v0;
	v6 =	vld [tilespmem:s0+$0x90];
	vm0 =	vlt.f32 v18, v26;
	v18 =	vadd.s32 v54, v24  }
0x23e: {  	v2 =	vadd.s32 v2, v15;
	v24 =	vadd.s32 v55, v27;
	v26 =	vld [tilespmem:s29+$0xFFFFFF80];
	v25 =	vsel vm0, $0x1, v0;
	[tilespmem:s25+$0xFFFFFF10] =	vst v18  }
0x23f: {  	v18 =	vadd.s32 v19, v28;
	v19 =	vadd.s32 v23, v30;
	[tilespmem:s25+$0xFFFFFF20] =	vst v24;
	vm0 =	vlt.f32 v17, v1;
	v23 =	vld [tilespmem:s29+$0xFFFFFF90]  }
0x240: {  	v10 =	vadd.s32 v10, v29;
	v17 =	vld [tilespmem:s29+$0xFFFFFFA0];
	[tilespmem:s25+$0xFFFFFF30] =	vst v18;
	v1 =	vsel vm0, $0x1, v0;
	vm0 =	vlt.f32 v13, v3  }
0x241: {  	v20 =	vadd.s32 v25, v20;
	[tilespmem:s25+$0xFFFFFF50] =	vst v19;
	vm2 =	vlt.f32 v22, v9;
	v3 =	vsel vm0, $0x1, v0;
	v9 =	vld [tilespmem:s29+$0xFFFFFFB0]  }
0x242: {  	[tilespmem:s25+$0xFFFFFF40] =	vst v10;
	v1 =	vadd.s32 v1, v12;
	v19 =	vld [tilespmem:s29+$0xFFFFFFD0];
	v13 =	vsel vm2, $0x1, v0;
	v15 =	vmul.f32 $5.115000000e+02, v5  }
0x243: {  	[tilespmem:s24+$0x40] =	vst v2;
	v3 =	vadd.s32 v3, v14;
	v14 =	vld [tilespmem:s29+$0xFFFFFFC0];
	v22 =	vmul.f32 $5.115000000e+02, v7;
	v12 =	vmul.f32 $5.115000000e+02, v26  }
0x244: {  	v13 =	vadd.s32 v13, v16;
	v18 =	vmul.f32 $5.115000000e+02, v6;
	[tilespmem:s24+$0x50] =	vst v3;
	v3 =	vld [tilespmem:s0+$0xC0];
	v24 =	vadd.f32 $5.120000000e+02, v15  }
0x245: {  	v10 =	vld.idx.msk [tilespmem:v11+s5+$0x0], $0xffff;
	v22 =	vadd.f32 $5.120000000e+02, v22;
	v16 =	vmul.f32 $5.115000000e+02, v23;
	v12 =	vadd.f32 $5.120000000e+02, v12  }
0x246: {  	[tilespmem:s25+$0xFFFFFF60] =	vst v20;
	v2 =	vld [tilespmem:s0+$0xD0];
	v20 =	vmul.f32 $5.115000000e+02, v17;
	v18 =	vadd.f32 $5.120000000e+02, v18;
	v15 =	vmul.f32 $5.115000000e+02, v9  }
0x247: {  	v27 =	vmul.f32 $5.115000000e+02, v19;
	v24 =	vmax.f32 v24, $0.0e+00;
	v16 =	vadd.f32 $5.120000000e+02, v16  }
0x248: {  	v20 =	vadd.f32 $5.120000000e+02, v20;
	v18 =	vmax.f32 v18, $0.0e+00;
	v24 =	vmin.f32 v24, $1.023500000e+03  }
0x249: {  	v15 =	vadd.f32 $5.120000000e+02, v15;
	v30 =	vmul.f32 $5.115000000e+02, v3;
	v18 =	vmin.f32 v18, $1.023500000e+03  }
0x24a: {  	v24 =	vtrunc.f32 v24;
	vm0 =	vlt.f32 v10, v51;
	v10 =	vmax.f32 v12, $0.0e+00  }
0x24b: {  	v21 =	vld [tilespmem:s29+$0xFFFFFFE0];
	v12 =	vmul.f32 $5.115000000e+02, v14;
	v16 =	vmax.f32 v16, $0.0e+00;
	v56 =	vmul.f32 $5.115000000e+02, v2  }
0x24c: {  	v61 =	vtrunc.f32 v18;
	v51 =	vadd.f32 $5.120000000e+02, v42;
	v25 =	vsel vm0, $0x1, v0  }
0x24d: {  	v42 =	vadd.f32 $5.120000000e+02, v53;
	v15 =	vmax.f32 v15, $0.0e+00;
	v11 =	vadd.s32 v25, v11  }
0x24e: {  	v10 =	vmin.f32 v10, $1.023500000e+03;
	v16 =	vmin.f32 v16, $1.023500000e+03;
	v30 =	vadd.f32 $5.120000000e+02, v30;
	[tilespmem:s25+$0xFFFFFFF0] =	vst v11  }
0x24f: {  	v12 =	vadd.f32 $5.120000000e+02, v12;
	v11 =	vmax.f32 v20, $0.0e+00;
	v20 =	vadd.f32 $5.120000000e+02, v27;
	v27 =	vld [tilespmem:s29+$0x70]  }
0x250: {  	v25 =	vmul.f32 $5.115000000e+02, v21;
	v28 =	vmin.f32 v15, $1.023500000e+03;
	v10 =	vtrunc.f32 v10  }
0x251: {  	v16 =	vtrunc.f32 v16;
	v32 =	vadd.f32 $5.120000000e+02, v56;
	v34 =	vmax.f32 v51, $0.0e+00  }
0x252: {  	v28 =	vtrunc.f32 v28;
	v10 =	vcvt.f32.s32 v10;
	v11 =	vmin.f32 v11, $1.023500000e+03  }
0x253: {  	v42 =	vmax.f32 v42, $0.0e+00;
	v16 =	vcvt.f32.s32 v16;
	v11 =	vtrunc.f32 v11  }
0x254: {  	[tilespmem:s24+$0x30] =	vst v1;
	v25 =	vadd.f32 $5.120000000e+02, v25;
	v11 =	vcvt.f32.s32 v11;
	v1 =	vmul.f32 $5.115000000e+02, v27  }
0x255: {  	v12 =	vmax.f32 v12, $0.0e+00;
	v28 =	vcvt.f32.s32 v28;
	v20 =	vmax.f32 v20, $0.0e+00  }
0x256: {  	v12 =	vmin.f32 v12, $1.023500000e+03;
	v15 =	vmax.f32 v25, $0.0e+00;
	v29 =	vadd.f32 $5.120000000e+02, v1  }
0x257: {  	v20 =	vmin.f32 v20, $1.023500000e+03;
	v12 =	vtrunc.f32 v12;
	v25 =	vmin.f32 v15, $1.023500000e+03;
	v15 =	vld [tilespmem:s0+$0xB0]  }
0x258: {  	[tilespmem:s24+$0x60] =	vst v13;
	v20 =	vtrunc.f32 v20;
	v13 =	vtrunc.f32 v25;
	v31 =	vld.idx.msk [tilespmem:v10+s5+$0x0], $0xffff;
	v25 =	vmax.f32 v29, $0.0e+00  }
0x259: {  	v13 =	vcvt.f32.s32 v13;
	v58 =	vld.idx.msk [tilespmem:v16+s5+$0x0], $0xffff;
	v29 =	vcvt.f32.s32 v12;
	v12 =	vmin.f32 v25, $1.023500000e+03  }
0x25a: {  	v34 =	vmin.f32 v34, $1.023500000e+03;
	v59 =	vld.idx.msk [tilespmem:v11+s5+$0x0], $0xffff;
	v25 =	vcvt.f32.s32 v20;
	v12 =	vtrunc.f32 v12  }
0x25b: {  	v18 =	vmax.f32 v30, $0.0e+00;
	v34 =	vtrunc.f32 v34;
	v1 =	vld [tilespmem:s0+$0xE0];
	v12 =	vcvt.f32.s32 v12  }
0x25c: {  	v42 =	vmin.f32 v42, $1.023500000e+03;
	v44 =	vmin.f32 v18, $1.023500000e+03;
	v55 =	vcvt.f32.s32 v34;
	v60 =	vld.idx.msk [tilespmem:v28+s5+$0x0], $0xffff  }
0x25d: {  	v20 =	vmax.f32 v22, $0.0e+00;
	v22 =	vmul.f32 $5.115000000e+02, v15;
	vm0 =	vlt.f32 v31, v26  }
0x25e: {  	v38 =	vld [tilespmem:s26+$0xFFFFFF20];
	v18 =	vsel vm0, $0x1, v0;
	vm0 =	vlt.f32 v58, v23;
	v23 =	vcvt.f32.s32 v61  }
0x25f: {  	v10 =	vadd.s32 v18, v10;
	v18 =	vsel vm0, $0x1, v0;
	vm0 =	vlt.f32 v59, v17;
	v17 =	vld.idx.msk [tilespmem:v13+s5+$0x0], $0xffff  }
0x260: {  	v20 =	vmin.f32 v20, $1.023500000e+03;
	v57 =	vmul.f32 $5.115000000e+02, v1;
	[tilespmem:s25+$0xFFFFFF80] =	vst v10;
	v10 =	vadd.s32 v18, v16;
	v26 =	vld.idx.msk [tilespmem:v25+s5+$0x0], $0xffff  }
0x261: {  	v22 =	vadd.f32 $5.120000000e+02, v22;
	v16 =	vsel vm0, $0x1, v0;
	vm0 =	vlt.f32 v60, v9;
	[tilespmem:s25+$0xFFFFFF90] =	vst v10;
	v62 =	vld.idx.msk [tilespmem:v12+s5+$0x0], $0xffff  }
0x262: {  	v31 =	vtrunc.f32 v20;
	v9 =	vadd.s32 v16, v11;
	v10 =	vsel vm0, $0x1, v0;
	v18 =	vld [tilespmem:s29+$0x10]  }
0x263: {  	v33 =	vadd.f32 $5.120000000e+02, v57;
	v22 =	vmax.f32 v22, $0.0e+00;
	v39 =	vld.idx.msk [tilespmem:v29+s5+$0x0], $0xffff;
	[tilespmem:s25+$0xFFFFFFA0] =	vst v9;
	v9 =	vadd.s32 v10, v28  }
0x264: {  	v57 =	vtrunc.f32 v42;
	v30 =	vmin.f32 v22, $1.023500000e+03;
	v22 =	vmax.f32 v32, $0.0e+00;
	[tilespmem:s25+$0xFFFFFFB0] =	vst v9;
	v47 =	vld.idx.msk [tilespmem:v23+s5+$0x0], $0xffff  }
0x265: {  	v63 =	vmax.f32 v33, $0.0e+00;
	v40 =	vmin.f32 v22, $1.023500000e+03;
	v11 =	vtrunc.f32 v30;
	v9 =	vld [tilespmem:s29+$0x30]  }
0x266: {  	v22 =	vld [tilespmem:s29+$0x0];
	v32 =	vmin.f32 v63, $1.023500000e+03;
	vm1 =	vlt.f32 v26, v19;
	vm0 =	vlt.f32 v62, v27  }
0x267: {  	v26 =	vmul.f32 $5.115000000e+02, v18;
	v19 =	vcvt.f32.s32 v24;
	v10 =	vsel vm0, $0x1, v0  }
0x268: {  	v16 =	vsel vm1, $0x1, v0;
	vm0 =	vlt.f32 v39, v14;
	v10 =	vadd.s32 v10, v12  }
0x269: {  	vm1 =	vlt.f32 v47, v6;
	v6 =	vmul.f32 $5.115000000e+02, v38;
	v14 =	vsel vm0, $0x1, v0;
	[tilespmem:s25+$0x70] =	vst v10  }
0x26a: {  	v27 =	vmul.f32 $5.115000000e+02, v9;
	v10 =	vadd.s32 v14, v29;
	v14 =	vadd.s32 v16, v25;
	v25 =	vld [tilespmem:s29+$0xF0]  }
0x26b: {  	v20 =	vld [tilespmem:s29+$0x20];
	v26 =	vadd.f32 $5.120000000e+02, v26;
	vm0 =	vlt.f32 v17, v21;
	v21 =	vmul.f32 $5.115000000e+02, v22  }
0x26c: {  	v6 =	vadd.f32 $5.120000000e+02, v6;
	v12 =	vtrunc.f32 v44;
	v27 =	vadd.f32 $5.120000000e+02, v27  }
0x26d: {  	v26 =	vmax.f32 v26, $0.0e+00;
	v24 =	vadd.f32 $5.120000000e+02, v21;
	v21 =	vcvt.f32.s32 v31;
	v31 =	vld [tilespmem:s26+$0xFFFFFF70]  }
0x26e: {  	v17 =	vsel vm0, $0x1, v0;
	v16 =	vtrunc.f32 v40;
	v26 =	vmin.f32 v26, $1.023500000e+03  }
0x26f: {  	v6 =	vmax.f32 v6, $0.0e+00;
	[tilespmem:s25+$0xFFFFFFD0] =	vst v14;
	v14 =	vadd.s32 v17, v13;
	v28 =	vmul.f32 $5.115000000e+02, v25  }
0x270: {  	v13 =	vtrunc.f32 v32;
	v17 =	vadd.s32 v8, v4;
	v4 =	vmul.f32 $5.115000000e+02, v20  }
0x271: {  	v27 =	vmax.f32 v27, $0.0e+00;
	v26 =	vtrunc.f32 v26;
	v28 =	vadd.f32 $5.120000000e+02, v28  }
0x272: {  	v40 =	vld [tilespmem:s26+$0xFFFFFF40];
	v6 =	vmin.f32 v6, $1.023500000e+03;
	v27 =	vmin.f32 v27, $1.023500000e+03;
	v49 =	vmul.f32 $5.115000000e+02, v31  }
0x273: {  	[tilespmem:s25+$0xFFFFFFC0] =	vst v10;
	v46 =	vld.idx.msk [tilespmem:v19+s5+$0x0], $0xffff;
	v6 =	vtrunc.f32 v6;
	v24 =	vmax.f32 v24, $0.0e+00;
	v28 =	vmax.f32 v28, $0.0e+00  }
0x274: {  	v10 =	vld [tilespmem:s29+$0x40];
	v4 =	vadd.f32 $5.120000000e+02, v4;
	v37 =	vadd.f32 $5.120000000e+02, v49;
	v28 =	vmin.f32 v28, $1.023500000e+03  }
0x275: {  	v8 =	vld [tilespmem:s29+$0x50];
	[tilespmem:s25+$0xFFFFFFE0] =	vst v14;
	v27 =	vtrunc.f32 v27;
	v24 =	vmin.f32 v24, $1.023500000e+03;
	v28 =	vtrunc.f32 v28  }
0x276: {  	v14 =	vld [tilespmem:s29+$0x60];
	v27 =	vcvt.f32.s32 v27;
	v37 =	vmax.f32 v37, $0.0e+00;
	v28 =	vcvt.f32.s32 v28  }
0x277: {  	v4 =	vmax.f32 v4, $0.0e+00;
	v24 =	vtrunc.f32 v24;
	v37 =	vmin.f32 v37, $1.023500000e+03  }
0x278: {  	v39 =	vld [tilespmem:s26+$0xFFFFFF30];
	v52 =	vmul.f32 $5.115000000e+02, v40;
	v4 =	vmin.f32 v4, $1.023500000e+03;
	v50 =	vtrunc.f32 v37  }
0x279: {  	vm0 =	vlt.f32 v46, v5;
	v5 =	vcvt.f32.s32 v24;
	v24 =	vld [tilespmem:s26+$0xFFFFFF60];
	v33 =	vcvt.f32.s32 v50  }
0x27a: {  	v29 =	vmul.f32 $5.115000000e+02, v10;
	v30 =	vmul.f32 $5.115000000e+02, v8;
	v48 =	vld.idx.msk [tilespmem:v21+s5+$0x0], $0xffff;
	v35 =	vadd.f32 $5.120000000e+02, v52  }
0x27b: {  	v4 =	vtrunc.f32 v4;
	v45 =	vmul.f32 $5.115000000e+02, v14;
	v37 =	vld [tilespmem:s26+$0xFFFFFF00]  }
0x27c: {  	v29 =	vadd.f32 $5.120000000e+02, v29;
	v30 =	vadd.f32 $5.120000000e+02, v30;
	v35 =	vmax.f32 v35, $0.0e+00;
	v43 =	vld.idx.msk [tilespmem:v28+s5+$0x0], $0xffff  }
0x27d: {  	v4 =	vcvt.f32.s32 v4;
	v32 =	vadd.f32 $5.120000000e+02, v45;
	v35 =	vmin.f32 v35, $1.023500000e+03  }
0x27e: {  	v29 =	vmax.f32 v29, $0.0e+00;
	v30 =	vmax.f32 v30, $0.0e+00;
	v44 =	vmul.f32 $5.115000000e+02, v24  }
0x27f: {  	v56 =	vtrunc.f32 v35;
	v32 =	vmax.f32 v32, $0.0e+00;
	v29 =	vmin.f32 v29, $1.023500000e+03;
	v45 =	vld.idx.msk [tilespmem:v33+s5+$0x0], $0xffff  }
0x280: {  	v30 =	vmin.f32 v30, $1.023500000e+03;
	vm2 =	vlt.f32 v48, v7;
	v7 =	vcvt.f32.s32 v26;
	v54 =	vld.idx.msk [tilespmem:v5+s5+$0x0], $0xffff  }
0x281: {  	v26 =	vmul.f32 $5.115000000e+02, v39;
	vm3 =	vlt.f32 v43, v25;
	v25 =	vmul.f32 $5.115000000e+02, v37  }
0x282: {  	v32 =	vmin.f32 v32, $1.023500000e+03;
	v29 =	vtrunc.f32 v29;
	v30 =	vtrunc.f32 v30  }
0x283: {  	v44 =	vadd.f32 $5.120000000e+02, v44;
	v32 =	vtrunc.f32 v32;
	v25 =	vadd.f32 $5.120000000e+02, v25  }
0x284: {  	v26 =	vadd.f32 $5.120000000e+02, v26;
	v43 =	vsel vm3, $0x1, v0;
	vm3 =	vlt.f32 v45, v31;
	v31 =	vld.idx.msk [tilespmem:v4+s5+$0x0], $0xffff  }
0x285: {  	v30 =	vcvt.f32.s32 v30;
	vm4 =	vlt.f32 v54, v22;
	v25 =	vmax.f32 v25, $0.0e+00  }
0x286: {  	v22 =	vcvt.f32.s32 v6;
	v46 =	vld.idx.msk [tilespmem:v7+s5+$0x0], $0xffff;
	v6 =	vsel vm3, $0x1, v0;
	v25 =	vmin.f32 v25, $1.023500000e+03  }
0x287: {  	s28 =	simm.s32 $0xC900;
	v26 =	vmax.f32 v26, $0.0e+00;
	v6 =	vadd.s32 v6, v33;
	v25 =	vtrunc.f32 v25  }
0x288: {  	v29 =	vcvt.f32.s32 v29;
	v26 =	vmin.f32 v26, $1.023500000e+03;
	[tilespmem:s28+$0xFFFFFF70] =	vst v6;
	v25 =	vcvt.f32.s32 v25  }
0x289: {  	v44 =	vmax.f32 v44, $0.0e+00;
	v26 =	vtrunc.f32 v26;
	vm5 =	vlt.f32 v31, v20;
	v31 =	vld [tilespmem:s26+$0xFFFFFFF0]  }
0x28a: {  	v32 =	vcvt.f32.s32 v32;
	v44 =	vmin.f32 v44, $1.023500000e+03;
	v26 =	vcvt.f32.s32 v26  }
0x28b: {  	vm3 =	vlt.f32 v46, v18;
	v18 =	vcvt.f32.s32 v56;
	v6 =	vtrunc.f32 v44  }
0x28c: {  	v61 =	vld.idx.msk [tilespmem:v55+s5+$0x0], $0xffff;
	v58 =	vsel vm4, $0x1, v0;
	v59 =	vcvt.f32.s32 v6;
	v6 =	vsel vm3, $0x1, v0  }
0x28d: {  	v62 =	vadd.s32 v58, v5;
	v52 =	vld.idx.msk [tilespmem:v30+s5+$0x0], $0xffff;
	v20 =	vcvt.f32.s32 v57;
	v48 =	vadd.s32 v6, v7  }
0x28e: {  	v7 =	vcvt.f32.s32 v11;
	v5 =	vsel vm5, $0x1, v0;
	v63 =	vmul.f32 $5.115000000e+02, v31;
	v60 =	vld.idx.msk [tilespmem:v25+s5+$0x0], $0xffff  }
0x28f: {  	v47 =	vld.idx.msk [tilespmem:v22+s5+$0x0], $0xffff;
	v49 =	vadd.s32 v5, v4;
	v4 =	vcvt.f32.s32 v16;
	v16 =	vsel vm1, $0x1, v0  }
0x290: {  	v11 =	vld.idx.msk [tilespmem:v26+s5+$0x0], $0xffff;
	v5 =	vsel vm0, $0x1, v0;
	v34 =	vadd.s32 v16, v23;
	v23 =	vadd.f32 $5.120000000e+02, v63  }
0x291: {  	v6 =	vcvt.f32.s32 v12;
	v12 =	vld.idx.msk [tilespmem:v18+s5+$0x0], $0xffff;
	v35 =	vadd.s32 v5, v19;
	v19 =	vsel vm2, $0x1, v0  }
0x292: {  	v33 =	vadd.s32 v19, v21;
	v21 =	vmax.f32 v23, $0.0e+00;
	v23 =	vld.idx.msk [tilespmem:v29+s5+$0x0], $0xffff  }
0x293: {  	v28 =	vadd.s32 v43, v28;
	v5 =	vcvt.f32.s32 v13;
	v50 =	vld.idx.msk [tilespmem:v20+s5+$0x0], $0xffff;
	vm0 =	vlt.f32 v60, v37  }
0x294: {  	v16 =	vld.idx.msk [tilespmem:v59+s5+$0x0], $0xffff;
	v21 =	vmin.f32 v21, $1.023500000e+03;
	v13 =	vsel vm0, $0x1, v0;
	vm0 =	vlt.f32 v61, v36  }
0x295: {  	[tilespmem:s25+$0x0] =	vst v62;
	v19 =	vld.idx.msk [tilespmem:v27+s5+$0x0], $0xffff;
	v36 =	vsel vm0, $0x1, v0;
	vm0 =	vlt.f32 v47, v38;
	v13 =	vadd.s32 v13, v25  }
0x296: {  	[tilespmem:s25+$0x20] =	vst v49;
	v38 =	vsel vm0, $0x1, v0;
	vm0 =	vlt.f32 v11, v39;
	v11 =	vtrunc.f32 v21;
	v21 =	vld.idx.msk [tilespmem:v32+s5+$0x0], $0xffff  }
0x297: {  	vm1 =	vlt.f32 v23, v10;
	[tilespmem:s28+$0xFFFFFF00] =	vst v13;
	v13 =	vld [tilespmem:s29+$0xA0];
	v39 =	vsel vm0, $0x1, v0;
	vm0 =	vlt.f32 v12, v40  }
0x298: {  	[tilespmem:s25+$0x10] =	vst v48;
	v53 =	vcvt.f32.s32 v11;
	v11 =	vld [tilespmem:s29+$0x80];
	v54 =	vsel vm0, $0x1, v0;
	vm0 =	vlt.f32 v50, v41  }
0x299: {  	v12 =	vld [tilespmem:s29+$0x90];
	v22 =	vadd.s32 v38, v22;
	v25 =	vsel vm0, $0x1, v0;
	vm0 =	vlt.f32 v16, v24  }
0x29a: {  	[tilespmem:s28+$0xFFFFFF20] =	vst v22;
	v16 =	vadd.s32 v36, v55;
	v36 =	vld [tilespmem:s26+$0xFFFFFF80];
	v18 =	vadd.s32 v54, v18;
	v24 =	vsel vm0, $0x1, v0  }
0x29b: {  	[tilespmem:s28+$0xFFFFFF10] =	vst v16;
	v16 =	vadd.s32 v39, v26;
	v20 =	vadd.s32 v25, v20;
	vm0 =	vlt.f32 v19, v9;
	v19 =	vld [tilespmem:s26+$0xFFFFFFA0]  }
0x29c: {  	v25 =	vld [tilespmem:s26+$0xFFFFFF90];
	v9 =	vadd.s32 v24, v59;
	v10 =	vsel vm0, $0x1, v0;
	[tilespmem:s28+$0xFFFFFF30] =	vst v16;
	vm0 =	vlt.f32 v52, v8  }
0x29d: {  	vm2 =	vlt.f32 v21, v14;
	v14 =	vsel vm1, $0x1, v0;
	[tilespmem:s28+$0xFFFFFF50] =	vst v20;
	v16 =	vsel vm0, $0x1, v0;
	v23 =	vld [tilespmem:s26+$0xFFFFFFB0]  }
0x29e: {  	[tilespmem:s28+$0xFFFFFF40] =	vst v18;
	v18 =	vsel vm2, $0x1, v0;
	v10 =	vadd.s32 v10, v27;
	v14 =	vadd.s32 v14, v29;
	v26 =	vld [tilespmem:s26+$0xFFFFFFD0]  }
0x29f: {  	[tilespmem:s28+$0xFFFFFF60] =	vst v9;
	v9 =	vmul.f32 $5.115000000e+02, v11;
	v22 =	vmul.f32 $5.115000000e+02, v12;
	v8 =	vld.idx.msk [tilespmem:v53+s5+$0x0], $0xffff;
	v16 =	vadd.s32 v16, v30  }
0x2a0: {  	v24 =	vld [tilespmem:s26+$0xFFFFFFC0];
	v18 =	vadd.s32 v18, v32;
	v30 =	vmul.f32 $5.115000000e+02, v13;
	v20 =	vmul.f32 $5.115000000e+02, v36  }
0x2a1: {  	v29 =	vld [tilespmem:s26+$0xFFFFFFE0];
	v9 =	vadd.f32 $5.120000000e+02, v9;
	v22 =	vadd.f32 $5.120000000e+02, v22;
	v27 =	vmul.f32 $5.115000000e+02, v19  }
0x2a2: {  	[tilespmem:s25+$0x40] =	vst v14;
	v30 =	vadd.f32 $5.120000000e+02, v30;
	v21 =	vmul.f32 $5.115000000e+02, v25;
	v20 =	vadd.f32 $5.120000000e+02, v20  }
0x2a3: {  	v14 =	vld [tilespmem:s29+$0xC0];
	v61 =	vmax.f32 v9, $0.0e+00;
	v27 =	vadd.f32 $5.120000000e+02, v27;
	v55 =	vmul.f32 $5.115000000e+02, v23  }
0x2a4: {  	v56 =	vmul.f32 $5.115000000e+02, v26;
	v21 =	vadd.f32 $5.120000000e+02, v21;
	vm0 =	vlt.f32 v8, v31  }
0x2a5: {  	[tilespmem:s25+$0x60] =	vst v18;
	v8 =	vmax.f32 v20, $0.0e+00;
	v20 =	vmul.f32 $5.115000000e+02, v24;
	v31 =	vsel vm0, $0x1, v0  }
0x2a6: {  	v9 =	vld [tilespmem:s29+$0xE0];
	v57 =	vmul.f32 $5.115000000e+02, v29;
	v32 =	vadd.f32 $5.120000000e+02, v55;
	v31 =	vadd.s32 v31, v53  }
0x2a7: {  	v27 =	vmax.f32 v27, $0.0e+00;
	v58 =	vadd.f32 $5.120000000e+02, v56;
	v8 =	vmin.f32 v8, $1.023500000e+03;
	[tilespmem:s28+$0xFFFFFFF0] =	vst v31  }
0x2a8: {  	v62 =	vmul.f32 $5.115000000e+02, v14;
	v21 =	vmax.f32 v21, $0.0e+00;
	v20 =	vadd.f32 $5.120000000e+02, v20;
	v37 =	vld [tilespmem:s26+$0x70]  }
0x2a9: {  	v38 =	vadd.f32 $5.120000000e+02, v57;
	v27 =	vmin.f32 v27, $1.023500000e+03;
	v59 =	vtrunc.f32 v8  }
0x2aa: {  	v31 =	vmax.f32 v32, $0.0e+00;
	v21 =	vmin.f32 v21, $1.023500000e+03;
	v27 =	vtrunc.f32 v27  }
0x2ab: {  	v32 =	vmax.f32 v58, $0.0e+00;
	v18 =	vcvt.f32.s32 v59;
	v52 =	vmul.f32 $5.115000000e+02, v9  }
0x2ac: {  	[tilespmem:s25+$0x30] =	vst v10;
	v20 =	vmax.f32 v20, $0.0e+00;
	v31 =	vmin.f32 v31, $1.023500000e+03;
	v21 =	vtrunc.f32 v21  }
0x2ad: {  	v8 =	vld [tilespmem:s29+$0xB0];
	v38 =	vmax.f32 v38, $0.0e+00;
	v27 =	vcvt.f32.s32 v27;
	v10 =	vmul.f32 $5.115000000e+02, v37  }
0x2ae: {  	v32 =	vmin.f32 v32, $1.023500000e+03;
	v20 =	vmin.f32 v20, $1.023500000e+03;
	v40 =	vcvt.f32.s32 v21  }
0x2af: {  	[tilespmem:s25+$0x50] =	vst v16;
	v31 =	vtrunc.f32 v31;
	v16 =	vtrunc.f32 v20;
	v60 =	vadd.f32 $5.120000000e+02, v10  }
0x2b0: {  	v38 =	vmin.f32 v38, $1.023500000e+03;
	v20 =	vtrunc.f32 v32;
	v32 =	vcvt.f32.s32 v31  }
0x2b1: {  	v39 =	vadd.f32 $5.120000000e+02, v62;
	v38 =	vtrunc.f32 v38;
	v63 =	vld.idx.msk [tilespmem:v18+s5+$0x0], $0xffff;
	v21 =	vmax.f32 v60, $0.0e+00  }
0x2b2: {  	v41 =	vcvt.f32.s32 v16;
	v31 =	vmul.f32 $5.115000000e+02, v8;
	v10 =	vld [tilespmem:s29+$0xD0];
	v16 =	vmin.f32 v21, $1.023500000e+03  }
0x2b3: {  	v54 =	vadd.f32 $5.120000000e+02, v52;
	v20 =	vcvt.f32.s32 v20;
	v55 =	vld.idx.msk [tilespmem:v27+s5+$0x0], $0xffff;
	v16 =	vtrunc.f32 v16  }
0x2b4: {  	v38 =	vcvt.f32.s32 v38;
	v31 =	vadd.f32 $5.120000000e+02, v31;
	v53 =	vld.idx.msk [tilespmem:v40+s5+$0x0], $0xffff;
	v16 =	vcvt.f32.s32 v16  }
0x2b5: {  	v21 =	vmax.f32 v22, $0.0e+00;
	v22 =	vmax.f32 v30, $0.0e+00;
	v30 =	vmin.f32 v61, $1.023500000e+03  }
0x2b6: {  	v57 =	vld.idx.msk [tilespmem:v32+s5+$0x0], $0xffff;
	vm0 =	vlt.f32 v63, v36;
	v21 =	vmin.f32 v21, $1.023500000e+03;
	v46 =	vtrunc.f32 v30  }
0x2b7: {  	v22 =	vmin.f32 v22, $1.023500000e+03;
	v51 =	vmul.f32 $5.115000000e+02, v10;
	v56 =	vtrunc.f32 v21  }
0x2b8: {  	v60 =	vld.idx.msk [tilespmem:v41+s5+$0x0], $0xffff;
	v21 =	vmax.f32 v31, $0.0e+00;
	v31 =	vmax.f32 v39, $0.0e+00;
	v62 =	vtrunc.f32 v22  }
0x2b9: {  	vm1 =	vlt.f32 v53, v25;
	v25 =	vsel vm0, $0x1, v0;
	vm0 =	vlt.f32 v55, v19  }
0x2ba: {  	v31 =	vmin.f32 v31, $1.023500000e+03;
	v18 =	vadd.s32 v25, v18;
	v25 =	vsel vm1, $0x1, v0;
	v58 =	vld.idx.msk [tilespmem:v16+s5+$0x0], $0xffff  }
0x2bb: {  	v52 =	vld.idx.msk [tilespmem:v38+s5+$0x0], $0xffff;
	v19 =	vsel vm0, $0x1, v0;
	vm0 =	vlt.f32 v57, v23;
	[tilespmem:s28+$0xFFFFFF80] =	vst v18;
	v18 =	vadd.s32 v25, v40  }
0x2bc: {  	v63 =	vld.idx.msk [tilespmem:v20+s5+$0x0], $0xffff;
	v30 =	vadd.f32 $5.120000000e+02, v51;
	[tilespmem:s28+$0xFFFFFF90] =	vst v18;
	v18 =	vadd.s32 v19, v27;
	v19 =	vsel vm0, $0x1, v0  }
0x2bd: {  	v22 =	vtrunc.f32 v31;
	vm1 =	vlt.f32 v60, v24;
	v31 =	vld [tilespmem:s26+$0x10];
	[tilespmem:s28+$0xFFFFFFA0] =	vst v18;
	v18 =	vadd.s32 v19, v32  }
0x2be: {  	v43 =	vmax.f32 v54, $0.0e+00;
	v30 =	vmax.f32 v30, $0.0e+00;
	[tilespmem:s28+$0xFFFFFFB0] =	vst v18;
	v18 =	vsel vm1, $0x1, v0  }
0x2bf: {  	v59 =	vmin.f32 v30, $1.023500000e+03;
	v30 =	vld [tilespmem:s26+$0x0];
	v18 =	vadd.s32 v18, v41;
	vm0 =	vlt.f32 v58, v37  }
0x2c0: {  	v61 =	vmin.f32 v43, $1.023500000e+03;
	v21 =	vmin.f32 v21, $1.023500000e+03;
	v32 =	vld [tilespmem:s26+$0x20];
	[tilespmem:s28+$0xFFFFFFC0] =	vst v18;
	v19 =	vsel vm0, $0x1, v0  }
0x2c1: {  	v21 =	vtrunc.f32 v21;
	v18 =	vld [tilespmem:s26+$0x40];
	vm0 =	vlt.f32 v63, v26;
	v19 =	vadd.s32 v19, v16  }
0x2c2: {  	v53 =	vld.idx.msk [tilespmem:v7+s5+$0x0], $0xffff;
	v25 =	vmul.f32 $5.115000000e+02, v31;
	v23 =	vsel vm0, $0x1, v0;
	vm0 =	vlt.f32 v52, v29;
	[tilespmem:s28+$0x70] =	vst v19  }
0x2c3: {  	v27 =	vtrunc.f32 v61;
	v19 =	vadd.s32 v23, v20;
	v20 =	vsel vm0, $0x1, v0;
	v36 =	vld [tilespmem:s26+$0xF0]  }
0x2c4: {  	v24 =	vmul.f32 $5.115000000e+02, v30;
	v54 =	vadd.f32 $5.120000000e+02, v25;
	v16 =	vld [tilespmem:s26+$0x30];
	[tilespmem:s28+$0xFFFFFFD0] =	vst v19;
	v20 =	vadd.s32 v20, v38  }
0x2c5: {  	v25 =	vcvt.f32.s32 v62;
	v26 =	vtrunc.f32 v59;
	v19 =	vld [tilespmem:s26+$0x50];
	[tilespmem:s28+$0xFFFFFFE0] =	vst v20  }
0x2c6: {  	v29 =	vmul.f32 $5.115000000e+02, v32;
	v58 =	vmax.f32 v54, $0.0e+00;
	v60 =	vmul.f32 $5.115000000e+02, v18;
	v20 =	vld [tilespmem:s26+$0x60]  }
0x2c7: {  	v23 =	vcvt.f32.s32 v46;
	vm0 =	vlt.f32 v53, v15;
	v15 =	vadd.f32 $5.120000000e+02, v24  }
0x2c8: {  	v24 =	vcvt.f32.s32 v56;
	v42 =	vmin.f32 v58, $1.023500000e+03;
	v57 =	vmul.f32 $5.115000000e+02, v36  }
0x2c9: {  	[tilespmem:s24+$0xF0] =	vst v17;
	v17 =	vld.idx.msk [tilespmem:v4+s5+$0x0], $0xffff;
	v38 =	vadd.f32 $5.120000000e+02, v60;
	v56 =	vmax.f32 v15, $0.0e+00;
	v15 =	vadd.f32 $5.120000000e+02, v29  }
0x2ca: {  	v29 =	vld.idx.msk [tilespmem:v6+s5+$0x0], $0xffff;
	v55 =	vmul.f32 $5.115000000e+02, v16;
	v61 =	vmul.f32 $5.115000000e+02, v19;
	v62 =	vadd.f32 $5.120000000e+02, v57  }
0x2cb: {  	[tilespmem:s24+$0x80] =	vst v35;
	v35 =	vmax.f32 v38, $0.0e+00;
	v38 =	vld.idx.msk [tilespmem:v25+s5+$0x0], $0xffff;
	v40 =	vmax.f32 v15, $0.0e+00;
	v63 =	vmul.f32 $5.115000000e+02, v20  }
0x2cc: {  	[tilespmem:s25+$0xF0] =	vst v28;
	v15 =	vld.idx.msk [tilespmem:v5+s5+$0x0], $0xffff;
	v59 =	vadd.f32 $5.120000000e+02, v55;
	v43 =	vadd.f32 $5.120000000e+02, v61;
	v44 =	vmax.f32 v62, $0.0e+00  }
0x2cd: {  	[tilespmem:s24+$0x90] =	vst v34;
	v41 =	vmin.f32 v56, $1.023500000e+03;
	v28 =	vld.idx.msk [tilespmem:v23+s5+$0x0], $0xffff;
	v34 =	vadd.f32 $5.120000000e+02, v63;
	v44 =	vmin.f32 v44, $1.023500000e+03  }
0x2ce: {  	s30 =	simm.s32 $0x10;
	s0 =	simm.s32 $0x4B00;
	[tilespmem:s24+$0xA0] =	vst v33;
	s29 =	simm.s32 $0xC900;
	v37 =	vld.idx.msk [tilespmem:v24+s5+$0x0], $0xffff;
	v39 =	vmax.f32 v59, $0.0e+00;
	v33 =	vmax.f32 v43, $0.0e+00;
	v43 =	vtrunc.f32 v44  }
.LBB2_9:
0x2cf: {  	v44 =	vld [tilespmem:s0+$0xFFFFFF70];
	s30 =	sadd.s32 $0x8, s30;
	v40 =	vmin.f32 v40, $1.023500000e+03;
	v45 =	vmax.f32 v34, $0.0e+00;
	v43 =	vcvt.f32.s32 v43  }
0x2d0: {  	v39 =	vmin.f32 v39, $1.023500000e+03;
	v46 =	vmin.f32 v35, $1.023500000e+03;
	v47 =	vmin.f32 v33, $1.023500000e+03;
	v34 =	vld [tilespmem:s0+$0xFFFFFF10];
	p0 =	slt.u32 s30, $0xF8  }
0x2d1: {  	v41 =	vtrunc.f32 v41;
	v42 =	vtrunc.f32 v42;
	v45 =	vmin.f32 v45, $1.023500000e+03;
	v35 =	vld [tilespmem:s0+$0xFFFFFF20]  }
0x2d2: {  	v40 =	vtrunc.f32 v40;
	v39 =	vtrunc.f32 v39;
	vm1 =	vlt.f32 v28, v11;
	v33 =	vld [tilespmem:s0+$0xFFFFFF30]  }
0x2d3: {  	v46 =	vtrunc.f32 v46;
	v47 =	vtrunc.f32 v47;
	vm2 =	vlt.f32 v37, v12;
	v28 =	vld [tilespmem:s0+$0xFFFFFF40]  }
0x2d4: {  	v45 =	vtrunc.f32 v45;
	vm3 =	vlt.f32 v38, v13;
	v11 =	vld [tilespmem:s0+$0xFFFFFF50];
	v37 =	vmul.f32 $5.115000000e+02, v44  }
0x2d5: {  	vm4 =	vlt.f32 v29, v3;
	v3 =	vmovc v14;
	v38 =	vcvt.f32.s32 v41;
	v13 =	vmul.f32 $5.115000000e+02, v34;
	v41 =	vld.idx.msk [tilespmem:v43+s5+$0x0], $0xffff  }
0x2d6: {  	v14 =	vmul.f32 $5.115000000e+02, v35;
	v12 =	vld [tilespmem:s0+$0xFFFFFF60];
	v29 =	vadd.f32 $5.120000000e+02, v37;
	v37 =	vcvt.f32.s32 v42  }
0x2d7: {  	v40 =	vcvt.f32.s32 v40;
	v42 =	vld [tilespmem:s0+$0xFFFFFF00];
	v13 =	vadd.f32 $5.120000000e+02, v13;
	v48 =	vmul.f32 $5.115000000e+02, v33  }
0x2d8: {  	v14 =	vadd.f32 $5.120000000e+02, v14;
	v49 =	vmul.f32 $5.115000000e+02, v28;
	v29 =	vmax.f32 v29, $0.0e+00  }
0x2d9: {  	v48 =	vadd.f32 $5.120000000e+02, v48;
	v50 =	vmul.f32 $5.115000000e+02, v11;
	v29 =	vmin.f32 v29, $1.023500000e+03  }
0x2da: {  	v13 =	vmax.f32 v13, $0.0e+00;
	v49 =	vadd.f32 $5.120000000e+02, v49;
	v29 =	vtrunc.f32 v29  }
0x2db: {  	vm5 =	vlt.f32 v41, v36;
	v51 =	vmul.f32 $5.115000000e+02, v12;
	v29 =	vcvt.f32.s32 v29;
	v52 =	vld.idx.msk [tilespmem:v38+s5+$0x0], $0xffff  }
0x2dc: {  	v41 =	vadd.f32 $5.120000000e+02, v50;
	v53 =	vsel vm5, $0x1, v0;
	v36 =	vmul.f32 $5.115000000e+02, v42;
	v50 =	vld.idx.msk [tilespmem:v37+s5+$0x0], $0xffff  }
0x2dd: {  	v14 =	vmax.f32 v14, $0.0e+00;
	v43 =	vadd.s32 v53, v43;
	v51 =	vadd.f32 $5.120000000e+02, v51;
	v54 =	vld.idx.msk [tilespmem:v40+s5+$0x0], $0xffff  }
0x2de: {  	v48 =	vmax.f32 v48, $0.0e+00;
	v49 =	vmax.f32 v49, $0.0e+00;
	v36 =	vadd.f32 $5.120000000e+02, v36;
	[tilespmem:s28+$0xF0] =	vst v43  }
0x2df: {  	v13 =	vmin.f32 v13, $1.023500000e+03;
	v41 =	vmax.f32 v41, $0.0e+00;
	v43 =	vmax.f32 v51, $0.0e+00  }
0x2e0: {  	v14 =	vmin.f32 v14, $1.023500000e+03;
	v48 =	vmin.f32 v48, $1.023500000e+03;
	v36 =	vmax.f32 v36, $0.0e+00  }
0x2e1: {  	v49 =	vmin.f32 v49, $1.023500000e+03;
	v41 =	vmin.f32 v41, $1.023500000e+03;
	v36 =	vmin.f32 v36, $1.023500000e+03;
	v51 =	vld.idx.msk [tilespmem:v29+s5+$0x0], $0xffff  }
0x2e2: {  	v13 =	vtrunc.f32 v13;
	v43 =	vmin.f32 v43, $1.023500000e+03;
	v36 =	vtrunc.f32 v36  }
0x2e3: {  	v14 =	vtrunc.f32 v14;
	v48 =	vtrunc.f32 v48;
	vm5 =	vlt.f32 v52, v30  }
0x2e4: {  	v41 =	vtrunc.f32 v41;
	v30 =	vtrunc.f32 v49;
	vm6 =	vlt.f32 v50, v31  }
0x2e5: {  	vm7 =	vlt.f32 v54, v32;
	v31 =	vcvt.f32.s32 v36;
	v36 =	vtrunc.f32 v43  }
0x2e6: {  	v13 =	vcvt.f32.s32 v13;
	v32 =	vcvt.f32.s32 v14;
	v43 =	vsel vm5, $0x1, v0  }
0x2e7: {  	v48 =	vcvt.f32.s32 v48;
	v30 =	vcvt.f32.s32 v30;
	vm5 =	vlt.f32 v51, v44  }
0x2e8: {  	v41 =	vcvt.f32.s32 v41;
	v36 =	vcvt.f32.s32 v36;
	v14 =	vsel vm5, $0x1, v0  }
0x2e9: {  	s28 =	sadd.s32 $0x200, s28;
	v14 =	vadd.s32 v14, v29;
	v29 =	vcvt.f32.s32 v39;
	v39 =	vcvt.f32.s32 v46  }
0x2ea: {  	v45 =	vcvt.f32.s32 v45;
	v44 =	vsel vm6, $0x1, v0;
	v46 =	vcvt.f32.s32 v47;
	[tilespmem:s28+$0xFFFFFF70] =	vst v14  }
0x2eb: {  	v38 =	vadd.s32 v43, v38;
	v43 =	vsel vm7, $0x1, v0;
	v37 =	vadd.s32 v44, v37;
	v14 =	vld [tilespmem:s0+$0xFFFFFFF0]  }
0x2ec: {  	v21 =	vcvt.f32.s32 v21;
	v22 =	vcvt.f32.s32 v22;
	v44 =	vld.idx.msk [tilespmem:v31+s5+$0x0], $0xffff;
	[tilespmem:s29+$0x0] =	vst v38;
	v38 =	vadd.s32 v43, v40  }
0x2ed: {  	v26 =	vcvt.f32.s32 v26;
	v27 =	vcvt.f32.s32 v27;
	vm5 =	vlt.f32 v17, v2;
	v2 =	vmovc v10;
	v40 =	vld.idx.msk [tilespmem:v13+s5+$0x0], $0xffff;
	[tilespmem:s29+$0x10] =	vst v37  }
0x2ee: {  	v17 =	vsel vm1, $0x1, v0;
	vm1 =	vlt.f32 v15, v1;
	v1 =	vmovc v9;
	v37 =	vsel vm2, $0x1, v0;
	v10 =	vld.idx.msk [tilespmem:v32+s5+$0x0], $0xffff;
	[tilespmem:s29+$0x20] =	vst v38  }
0x2ef: {  	v15 =	vsel vm3, $0x1, v0;
	v43 =	vsel vm4, $0x1, v0;
	v38 =	vsel vm0, $0x1, v0;
	v9 =	vld.idx.msk [tilespmem:v48+s5+$0x0], $0xffff  }
0x2f0: {  	v50 =	vsel vm5, $0x1, v0;
	v51 =	vsel vm1, $0x1, v0;
	v47 =	vld.idx.msk [tilespmem:v30+s5+$0x0], $0xffff;
	v49 =	vmul.f32 $5.115000000e+02, v14  }
0x2f1: {  	v17 =	vadd.s32 v17, v23;
	v15 =	vadd.s32 v15, v25;
	v23 =	vadd.s32 v37, v24;
	v52 =	vld.idx.msk [tilespmem:v41+s5+$0x0], $0xffff  }
0x2f2: {  	vm0 =	vlt.f32 v44, v42;
	v24 =	vld.idx.msk [tilespmem:v36+s5+$0x0], $0xffff;
	v25 =	vadd.f32 $5.120000000e+02, v49;
	[tilespmem:s25+$0x80] =	vst v17;
	v17 =	vadd.s32 v38, v7  }
0x2f3: {  	v37 =	vsel vm0, $0x1, v0;
	vm0 =	vlt.f32 v40, v34;
	v34 =	vld.idx.msk [tilespmem:v29+s5+$0x0], $0xffff;
	[tilespmem:s25+$0x90] =	vst v23;
	v23 =	vadd.s32 v43, v6  }
0x2f4: {  	v7 =	vmovc v21;
	v38 =	vsel vm0, $0x1, v0;
	vm0 =	vlt.f32 v10, v35;
	v35 =	vmax.f32 v25, $0.0e+00;
	v10 =	vld.idx.msk [tilespmem:v39+s5+$0x0], $0xffff;
	[tilespmem:s25+$0xA0] =	vst v15  }
0x2f5: {  	v6 =	vmovc v22;
	v15 =	vsel vm0, $0x1, v0;
	vm0 =	vlt.f32 v9, v33;
	v9 =	vmin.f32 v35, $1.023500000e+03;
	v25 =	vld.idx.msk [tilespmem:v46+s5+$0x0], $0xffff;
	[tilespmem:s24+$0xB0] =	vst v17  }
0x2f6: {  	v17 =	vsel vm0, $0x1, v0;
	vm0 =	vlt.f32 v47, v28;
	v9 =	vtrunc.f32 v9;
	v28 =	vld.idx.msk [tilespmem:v45+s5+$0x0], $0xffff;
	[tilespmem:s24+$0xC0] =	vst v23  }
0x2f7: {  	v22 =	vsel vm0, $0x1, v0;
	vm0 =	vlt.f32 v52, v11;
	v9 =	vcvt.f32.s32 v9;
	v11 =	vld [tilespmem:s26+$0x80]  }
0x2f8: {  	v21 =	vadd.s32 v37, v31;
	v23 =	vsel vm0, $0x1, v0;
	vm0 =	vlt.f32 v24, v12;
	v12 =	vld [tilespmem:s26+$0x90]  }
0x2f9: {  	v15 =	vadd.s32 v15, v32;
	v24 =	vadd.s32 v38, v13;
	v31 =	vsel vm0, $0x1, v0;
	[tilespmem:s28+$0xFFFFFF00] =	vst v21;
	v13 =	vld [tilespmem:s26+$0xA0]  }
0x2fa: {  	v17 =	vadd.s32 v17, v48;
	v23 =	vadd.s32 v23, v41;
	v21 =	vld [tilespmem:s0+$0xFFFFFF80];
	[tilespmem:s28+$0xFFFFFF10] =	vst v24;
	v24 =	vadd.s32 v22, v30  }
0x2fb: {  	vm0 =	vlt.f32 v34, v16;
	vm1 =	vlt.f32 v10, v18;
	v22 =	vld [tilespmem:s0+$0xFFFFFF90];
	[tilespmem:s28+$0xFFFFFF20] =	vst v15;
	v15 =	vadd.s32 v31, v36  }
0x2fc: {  	v10 =	vsel vm0, $0x1, v0;
	vm0 =	vlt.f32 v25, v19;
	vm2 =	vlt.f32 v28, v20;
	v16 =	vld [tilespmem:s0+$0xFFFFFFA0];
	[tilespmem:s28+$0xFFFFFF30] =	vst v17  }
0x2fd: {  	v18 =	vsel vm1, $0x1, v0;
	v19 =	vsel vm0, $0x1, v0;
	v20 =	vsel vm2, $0x1, v0;
	[tilespmem:s28+$0xFFFFFF40] =	vst v24;
	v17 =	vld.idx.msk [tilespmem:v9+s5+$0x0], $0xffff  }
0x2fe: {  	v10 =	vadd.s32 v10, v29;
	v25 =	vadd.s32 v18, v39;
	v28 =	vadd.s32 v19, v46;
	v24 =	vld [tilespmem:s0+$0xFFFFFFB0];
	[tilespmem:s28+$0xFFFFFF50] =	vst v23  }
0x2ff: {  	v29 =	vadd.s32 v20, v45;
	v23 =	vmul.f32 $5.115000000e+02, v21;
	v18 =	vld [tilespmem:s0+$0xFFFFFFC0];
	[tilespmem:s28+$0xFFFFFF60] =	vst v15;
	v15 =	vmul.f32 $5.115000000e+02, v11  }
0x300: {  	v31 =	vadd.s32 v50, v4;
	v4 =	vmovc v26;
	v30 =	vmul.f32 $5.115000000e+02, v12;
	v20 =	vmul.f32 $5.115000000e+02, v22;
	v19 =	vld [tilespmem:s0+$0xFFFFFFD0];
	[tilespmem:s29+$0x30] =	vst v10  }
0x301: {  	v32 =	vmul.f32 $5.115000000e+02, v13;
	v10 =	vadd.f32 $5.120000000e+02, v23;
	v26 =	vmul.f32 $5.115000000e+02, v16;
	v23 =	vld [tilespmem:s0+$0xFFFFFFE0];
	[tilespmem:s29+$0x40] =	vst v25  }
0x302: {  	v33 =	vadd.f32 $5.120000000e+02, v15;
	v15 =	vadd.s32 v51, v5;
	v5 =	vmovc v27;
	v25 =	vadd.f32 $5.120000000e+02, v20;
	v20 =	vld [tilespmem:s26+$0xB0];
	[tilespmem:s29+$0x50] =	vst v28  }
0x303: {  	vm0 =	vlt.f32 v17, v14;
	v26 =	vadd.f32 $5.120000000e+02, v26;
	v27 =	vmul.f32 $5.115000000e+02, v24;
	v14 =	vld [tilespmem:s26+$0xC0];
	[tilespmem:s29+$0x60] =	vst v29  }
0x304: {  	v17 =	vmax.f32 v10, $0.0e+00;
	v29 =	vsel vm0, $0x1, v0;
	v28 =	vmul.f32 $5.115000000e+02, v18;
	v10 =	vld [tilespmem:s26+$0xD0];
	[tilespmem:s24+$0xD0] =	vst v31  }
0x305: {  	v29 =	vadd.s32 v29, v9;
	v27 =	vadd.f32 $5.120000000e+02, v27;
	v31 =	vmul.f32 $5.115000000e+02, v19;
	v9 =	vld [tilespmem:s26+$0xE0];
	[tilespmem:s24+$0xE0] =	vst v15;
	s24 =	smov.u32 s25;
	s25 =	smov.u32 s29;
	s29 =	smov.u32 s28  }
0x306: {  	v15 =	vmax.f32 v25, $0.0e+00;
	s26 =	smov.u32 s0;
	v28 =	vadd.f32 $5.120000000e+02, v28;
	v34 =	vmul.f32 $5.115000000e+02, v23;
	[tilespmem:s28+$0xFFFFFFF0] =	vst v29;
	v25 =	vld.idx.msk [tilespmem:v7+s5+$0x0], $0xffff  }
0x307: {  	v26 =	vmax.f32 v26, $0.0e+00;
	v27 =	vmax.f32 v27, $0.0e+00;
	v31 =	vadd.f32 $5.120000000e+02, v31;
	v35 =	vld [tilespmem:s0+$0x70]  }
0x308: {  	v36 =	vmin.f32 v17, $1.023500000e+03;
	v28 =	vmax.f32 v28, $0.0e+00;
	v34 =	vadd.f32 $5.120000000e+02, v34;
	v29 =	vld.idx.msk [tilespmem:v6+s5+$0x0], $0xffff  }
0x309: {  	v37 =	vmin.f32 v15, $1.023500000e+03;
	v26 =	vmin.f32 v26, $1.023500000e+03;
	v31 =	vmax.f32 v31, $0.0e+00;
	v17 =	vld.idx.msk [tilespmem:v4+s5+$0x0], $0xffff  }
0x30a: {  	v27 =	vmin.f32 v27, $1.023500000e+03;
	v28 =	vmin.f32 v28, $1.023500000e+03;
	v34 =	vmax.f32 v34, $0.0e+00;
	v15 =	vld.idx.msk [tilespmem:v5+s5+$0x0], $0xffff  }
0x30b: {  	v36 =	vtrunc.f32 v36;
	v31 =	vmin.f32 v31, $1.023500000e+03;
	v34 =	vmin.f32 v34, $1.023500000e+03  }
0x30c: {  	v30 =	vadd.f32 $5.120000000e+02, v30;
	v37 =	vtrunc.f32 v37;
	v38 =	vmul.f32 $5.115000000e+02, v35  }
0x30d: {  	v32 =	vadd.f32 $5.120000000e+02, v32;
	v26 =	vtrunc.f32 v26;
	v27 =	vtrunc.f32 v27  }
0x30e: {  	v28 =	vtrunc.f32 v28;
	v31 =	vtrunc.f32 v31;
	v38 =	vadd.f32 $5.120000000e+02, v38  }
0x30f: {  	v33 =	vmax.f32 v33, $0.0e+00;
	v36 =	vcvt.f32.s32 v36;
	v34 =	vtrunc.f32 v34  }
0x310: {  	v37 =	vcvt.f32.s32 v37;
	v26 =	vcvt.f32.s32 v26;
	v38 =	vmax.f32 v38, $0.0e+00  }
0x311: {  	v27 =	vcvt.f32.s32 v27;
	v28 =	vcvt.f32.s32 v28;
	v38 =	vmin.f32 v38, $1.023500000e+03  }
0x312: {  	v30 =	vmax.f32 v30, $0.0e+00;
	v39 =	vcvt.f32.s32 v31;
	v31 =	vtrunc.f32 v38  }
0x313: {  	v34 =	vcvt.f32.s32 v34;
	v38 =	vcvt.f32.s32 v31;
	v31 =	vmax.f32 v32, $0.0e+00  }
0x314: {  	v40 =	vmul.f32 $5.115000000e+02, v14;
	v32 =	vmin.f32 v33, $1.023500000e+03;
	v33 =	vmul.f32 $5.115000000e+02, v20  }
0x315: {  	v30 =	vmin.f32 v30, $1.023500000e+03;
	v42 =	vmul.f32 $5.115000000e+02, v10;
	v43 =	vmul.f32 $5.115000000e+02, v9;
	v41 =	vld.idx.msk [tilespmem:v36+s5+$0x0], $0xffff  }
0x316: {  	v40 =	vadd.f32 $5.120000000e+02, v40;
	v31 =	vmin.f32 v31, $1.023500000e+03;
	v33 =	vadd.f32 $5.120000000e+02, v33;
	v44 =	vld.idx.msk [tilespmem:v37+s5+$0x0], $0xffff  }
0x317: {  	v46 =	vtrunc.f32 v32;
	v32 =	vadd.f32 $5.120000000e+02, v42;
	v42 =	vadd.f32 $5.120000000e+02, v43;
	v45 =	vld.idx.msk [tilespmem:v26+s5+$0x0], $0xffff  }
0x318: {  	v47 =	vtrunc.f32 v30;
	v30 =	vmax.f32 v33, $0.0e+00;
	v33 =	vmax.f32 v40, $0.0e+00;
	v43 =	vld.idx.msk [tilespmem:v27+s5+$0x0], $0xffff  }
0x319: {  	v32 =	vmax.f32 v32, $0.0e+00;
	v42 =	vmax.f32 v42, $0.0e+00;
	v30 =	vmin.f32 v30, $1.023500000e+03;
	v40 =	vld.idx.msk [tilespmem:v38+s5+$0x0], $0xffff  }
0x31a: {  	v49 =	vmin.f32 v32, $1.023500000e+03;
	v42 =	vmin.f32 v42, $1.023500000e+03;
	v33 =	vmin.f32 v33, $1.023500000e+03;
	v48 =	vld.idx.msk [tilespmem:v28+s5+$0x0], $0xffff  }
0x31b: {  	v50 =	vtrunc.f32 v31;
	vm0 =	vlt.f32 v41, v21;
	v21 =	vtrunc.f32 v30;
	v41 =	vld.idx.msk [tilespmem:v39+s5+$0x0], $0xffff  }
0x31c: {  	v30 =	vsel vm0, $0x1, v0;
	vm0 =	vlt.f32 v44, v22;
	v22 =	vtrunc.f32 v33;
	v44 =	vld.idx.msk [tilespmem:v34+s5+$0x0], $0xffff  }
0x31d: {  	v30 =	vadd.s32 v30, v36;
	v31 =	vsel vm0, $0x1, v0;
	vm0 =	vlt.f32 v45, v16  }
0x31e: {  	v16 =	vadd.s32 v31, v37;
	v31 =	vsel vm0, $0x1, v0;
	vm0 =	vlt.f32 v43, v24;
	[tilespmem:s28+$0xFFFFFF80] =	vst v30  }
0x31f: {  	v24 =	vsel vm0, $0x1, v0;
	vm0 =	vlt.f32 v40, v35;
	v30 =	vld [tilespmem:s0+$0x0];
	[tilespmem:s28+$0xFFFFFF90] =	vst v16;
	v16 =	vadd.s32 v31, v26  }
0x320: {  	vm1 =	vlt.f32 v48, v18;
	v18 =	vsel vm0, $0x1, v0;
	v31 =	vld [tilespmem:s0+$0x10];
	[tilespmem:s28+$0xFFFFFFA0] =	vst v16;
	v16 =	vadd.s32 v24, v27  }
0x321: {  	v24 =	vsel vm1, $0x1, v0;
	vm0 =	vlt.f32 v41, v19;
	v18 =	vadd.s32 v18, v38;
	v32 =	vld [tilespmem:s0+$0x20];
	[tilespmem:s28+$0xFFFFFFB0] =	vst v16  }
0x322: {  	v19 =	vadd.s32 v24, v28;
	v24 =	vsel vm0, $0x1, v0;
	vm0 =	vlt.f32 v44, v23;
	v16 =	vld [tilespmem:s0+$0x30];
	[tilespmem:s28+$0x70] =	vst v18  }
0x323: {  	v26 =	vtrunc.f32 v49;
	v23 =	vsel vm0, $0x1, v0;
	[tilespmem:s28+$0xFFFFFFC0] =	vst v19;
	v19 =	vadd.s32 v24, v39;
	v36 =	vld [tilespmem:s0+$0xF0]  }
0x324: {  	v27 =	vtrunc.f32 v42;
	v23 =	vadd.s32 v23, v34;
	v24 =	vmul.f32 $5.115000000e+02, v30;
	v18 =	vld [tilespmem:s0+$0x40];
	[tilespmem:s28+$0xFFFFFFD0] =	vst v19  }
0x325: {  	vm0 =	vlt.f32 v25, v8;
	v8 =	vmovc v20;
	v28 =	vmul.f32 $5.115000000e+02, v31;
	v19 =	vld [tilespmem:s0+$0x50];
	[tilespmem:s28+$0xFFFFFFE0] =	vst v23;
	v23 =	vcvt.f32.s32 v46  }
0x326: {  	v33 =	vadd.f32 $5.120000000e+02, v24;
	v34 =	vmul.f32 $5.115000000e+02, v32;
	v20 =	vld [tilespmem:s0+$0x60];
	v24 =	vcvt.f32.s32 v47  }
0x327: {  	v25 =	vcvt.f32.s32 v50;
	v28 =	vadd.f32 $5.120000000e+02, v28;
	v35 =	vmul.f32 $5.115000000e+02, v16  }
0x328: {  	v33 =	vmax.f32 v33, $0.0e+00;
	v34 =	vadd.f32 $5.120000000e+02, v34;
	v37 =	vmul.f32 $5.115000000e+02, v36  }
0x329: {  	v42 =	vmax.f32 v28, $0.0e+00;
	v28 =	vadd.f32 $5.120000000e+02, v35;
	v35 =	vmul.f32 $5.115000000e+02, v18  }
.Ltmp4:
0x32a: {  	v40 =	vmax.f32 v34, $0.0e+00;
	v34 =	vmul.f32 $5.115000000e+02, v19;
	v37 =	vadd.f32 $5.120000000e+02, v37;
	(pc) =	sbr.rel @p0 .LBB2_9-.Ltmp4, $4  }
0x32b: {  	v39 =	vmax.f32 v28, $0.0e+00;
	v35 =	vadd.f32 $5.120000000e+02, v35;
	v38 =	vmul.f32 $5.115000000e+02, v20;
	v28 =	vld.idx.msk [tilespmem:v23+s5+$0x0], $0xffff  }
0x32c: {  	v41 =	vmin.f32 v33, $1.023500000e+03;
	v33 =	vadd.f32 $5.120000000e+02, v34;
	v43 =	vmax.f32 v37, $0.0e+00;
	v37 =	vld.idx.msk [tilespmem:v24+s5+$0x0], $0xffff  }
0x32d: {  	v35 =	vmax.f32 v35, $0.0e+00;
	v34 =	vadd.f32 $5.120000000e+02, v38;
	v43 =	vmin.f32 v43, $1.023500000e+03;
	v38 =	vld.idx.msk [tilespmem:v25+s5+$0x0], $0xffff  }
0x32e: {  	s0 =	sadd.s32 $0x200, s0;
	v42 =	vmin.f32 v42, $1.023500000e+03;
	v33 =	vmax.f32 v33, $0.0e+00;
	v43 =	vtrunc.f32 v43  }
0x32f: {  	v41 =	vtrunc.f32 v41  }
0x330: {  	v40 =	vmin.f32 v40, $1.023500000e+03;
	v42 =	vtrunc.f32 v42;
	v41 =	vcvt.f32.s32 v41  }
0x331: {  	v39 =	vmin.f32 v39, $1.023500000e+03;
	v40 =	vtrunc.f32 v40;
	v42 =	vcvt.f32.s32 v42  }
0x332: {  	v35 =	vmin.f32 v35, $1.023500000e+03;
	v39 =	vtrunc.f32 v39;
	v40 =	vcvt.f32.s32 v40  }
0x333: {  	v35 =	vtrunc.f32 v35;
	v39 =	vcvt.f32.s32 v39  }
0x334: {  	v34 =	vmax.f32 v34, $0.0e+00;
	v35 =	vcvt.f32.s32 v35  }
0x335: {  	v43 =	vcvt.f32.s32 v43;
	v34 =	vmin.f32 v34, $1.023500000e+03  }
0x336: {  	v33 =	vmin.f32 v33, $1.023500000e+03;
	v21 =	vcvt.f32.s32 v21;
	v34 =	vtrunc.f32 v34;
	v44 =	vld.idx.msk [tilespmem:v41+s5+$0x0], $0xffff  }
0x337: {  	v33 =	vtrunc.f32 v33;
	v34 =	vcvt.f32.s32 v34;
	v45 =	vld.idx.msk [tilespmem:v42+s5+$0x0], $0xffff  }
0x338: {  	v22 =	vcvt.f32.s32 v22;
	v33 =	vcvt.f32.s32 v33;
	v46 =	vld.idx.msk [tilespmem:v40+s5+$0x0], $0xffff  }
0x339: {  	vm10 =	vlt.f32 v29, v3;
	v26 =	vcvt.f32.s32 v26;
	v27 =	vcvt.f32.s32 v27;
	v62 =	vld.idx.msk [tilespmem:v39+s5+$0x0], $0xffff  }
0x33a: {  	vm12 =	vlt.f32 v17, v2;
	vm15 =	vlt.f32 v15, v1;
	vm2 =	vlt.f32 v37, v12;
	v37 =	vld.idx.msk [tilespmem:v35+s5+$0x0], $0xffff  }
0x33b: {  	v54 =	vsel vm0, $0x1, v0;
	vm5 =	vlt.f32 v28, v11;
	vm1 =	vlt.f32 v44, v30  }
0x33c: {  	vm3 =	vlt.f32 v38, v13;
	v47 =	vld.idx.msk [tilespmem:v43+s5+$0x0], $0xffff;
	vm4 =	vlt.f32 v45, v31;
	v63 =	vsel vm1, $0x1, v0  }
0x33d: {  	v44 =	vld.idx.msk [tilespmem:v34+s5+$0x0], $0xffff;
	vm9 =	vlt.f32 v46, v32;
	v38 =	vsel vm4, $0x1, v0;
	v12 =	vadd.s32 v63, v41  }
0x33e: {  	vm11 =	vlt.f32 v62, v16;
	v41 =	vld.idx.msk [tilespmem:v33+s5+$0x0], $0xffff;
	v28 =	vadd.s32 v38, v42;
	v42 =	vsel vm9, $0x1, v0;
	[tilespmem:s29+$0x0] =	vst v12  }
0x33f: {  	vm7 =	vlt.f32 v37, v18;
	v2 =	vsel vm11, $0x1, v0;
	v45 =	vadd.s32 v42, v40;
	[tilespmem:s29+$0x10] =	vst v28;
	v28 =	vld [tilespmem:s26+$0x80]  }
0x340: {  	v55 =	vsel vm10, $0x1, v0;
	v46 =	vsel vm7, $0x1, v0;
	v2 =	vadd.s32 v2, v39;
	[tilespmem:s29+$0x20] =	vst v45;
	v29 =	vld [tilespmem:s26+$0x90]  }
0x341: {  	v7 =	vadd.s32 v54, v7;
	v6 =	vadd.s32 v55, v6;
	v11 =	vadd.s32 v46, v35;
	[tilespmem:s29+$0x30] =	vst v2;
	v31 =	vld [tilespmem:s26+$0xA0]  }
0x342: {  	v53 =	vsel vm3, $0x1, v0;
	vm6 =	vlt.f32 v47, v36;
	[tilespmem:s29+$0x40] =	vst v11;
	v11 =	vld [tilespmem:s26+$0xB0];
	vm14 =	vlt.f32 v44, v20  }
0x343: {  	v47 =	vsel vm5, $0x1, v0;
	v3 =	vsel vm6, $0x1, v0;
	v1 =	vsel vm14, $0x1, v0  }
0x344: {  	v13 =	vadd.s32 v47, v23;
	vm13 =	vlt.f32 v41, v19;
	v1 =	vadd.s32 v1, v34  }
0x345: {  	v3 =	vadd.s32 v3, v43;
	v48 =	vsel vm13, $0x1, v0;
	[tilespmem:s29+$0x60] =	vst v1;
	v49 =	vmul.f32 $5.115000000e+02, v28  }
0x346: {  	v16 =	vadd.s32 v48, v33;
	v50 =	vmul.f32 $5.115000000e+02, v29;
	v1 =	vld [tilespmem:s26+$0xE0];
	v51 =	vmul.f32 $5.115000000e+02, v31  }
0x347: {  	v2 =	vsel vm2, $0x1, v0;
	[tilespmem:s29+$0x50] =	vst v16;
	v16 =	vld [tilespmem:s26+$0xC0];
	v56 =	vmul.f32 $5.115000000e+02, v11;
	v52 =	vadd.f32 $5.120000000e+02, v49  }
0x348: {  	v2 =	vadd.s32 v2, v24;
	v17 =	vld [tilespmem:s26+$0xD0];
	v12 =	vadd.f32 $5.120000000e+02, v50;
	v18 =	vadd.f32 $5.120000000e+02, v51  }
0x349: {  	v19 =	vadd.s32 v53, v25;
	v32 =	vadd.f32 $5.120000000e+02, v56;
	v15 =	vmax.f32 v52, $0.0e+00  }
0x34a: {  	v12 =	vmax.f32 v12, $0.0e+00;
	v18 =	vmax.f32 v18, $0.0e+00;
	v15 =	vmin.f32 v15, $1.023500000e+03  }
0x34b: {  	v12 =	vmin.f32 v12, $1.023500000e+03;
	v59 =	vmul.f32 $5.115000000e+02, v1;
	v62 =	vmax.f32 v32, $0.0e+00  }
0x34c: {  	v57 =	vmul.f32 $5.115000000e+02, v16;
	v15 =	vtrunc.f32 v15;
	v18 =	vmin.f32 v18, $1.023500000e+03  }
0x34d: {  	v12 =	vtrunc.f32 v12;
	v25 =	vmin.f32 v62, $1.023500000e+03;
	v58 =	vmul.f32 $5.115000000e+02, v17  }
0x34e: {  	v15 =	vcvt.f32.s32 v15;
	v18 =	vtrunc.f32 v18;
	v23 =	vadd.f32 $5.120000000e+02, v59  }
0x34f: {  	v12 =	vcvt.f32.s32 v12;
	v60 =	vadd.f32 $5.120000000e+02, v57;
	v61 =	vadd.f32 $5.120000000e+02, v58  }
0x350: {  	[tilespmem:s28+$0xF0] =	vst v3;
	v37 =	vtrunc.f32 v25;
	v18 =	vcvt.f32.s32 v18;
	v3 =	vmax.f32 v23, $0.0e+00  }
0x351: {  	v42 =	vld.idx.msk [tilespmem:v21+s5+$0x0], $0xffff;
	[tilespmem:s25+$0x90] =	vst v2;
	v24 =	vmax.f32 v60, $0.0e+00;
	v2 =	vmin.f32 v3, $1.023500000e+03;
	v63 =	vmax.f32 v61, $0.0e+00  }
0x352: {  	v44 =	vld.idx.msk [tilespmem:v22+s5+$0x0], $0xffff;
	v36 =	vmin.f32 v24, $1.023500000e+03;
	v24 =	vcvt.f32.s32 v37;
	v2 =	vtrunc.f32 v2  }
0x353: {  	[tilespmem:s24+$0xB0] =	vst v7;
	v46 =	vld.idx.msk [tilespmem:v26+s5+$0x0], $0xffff;
	v39 =	vmin.f32 v63, $1.023500000e+03;
	v23 =	vtrunc.f32 v36;
	v2 =	vcvt.f32.s32 v2  }
0x354: {  	[tilespmem:s24+$0xC0] =	vst v6;
	v47 =	vld.idx.msk [tilespmem:v27+s5+$0x0], $0xffff;
	v43 =	vsel vm12, $0x1, v0;
	v3 =	vtrunc.f32 v39;
	v23 =	vcvt.f32.s32 v23  }
0x355: {  	[tilespmem:s25+$0x80] =	vst v13;
	v4 =	vadd.s32 v43, v4;
	v45 =	vsel vm15, $0x1, v0;
	v38 =	vld.idx.msk [tilespmem:v15+s5+$0x0], $0xffff;
	v3 =	vcvt.f32.s32 v3  }
0x356: {  	[tilespmem:s24+$0xD0] =	vst v4;
	v5 =	vadd.s32 v45, v5;
	vm8 =	vlt.f32 v42, v8;
	v40 =	vld.idx.msk [tilespmem:v12+s5+$0x0], $0xffff  }
0x357: {  	[tilespmem:s24+$0xE0] =	vst v5;
	v54 =	vsel vm8, $0x1, v0;
	vm9 =	vlt.f32 v44, v14;
	v41 =	vld.idx.msk [tilespmem:v18+s5+$0x0], $0xffff  }
0x358: {  	[tilespmem:s25+$0xA0] =	vst v19;
	vm10 =	vlt.f32 v46, v10;
	v7 =	vadd.s32 v54, v21;
	v56 =	vsel vm9, $0x1, v0;
	v51 =	vld.idx.msk [tilespmem:v24+s5+$0x0], $0xffff  }
0x359: {  	vm11 =	vlt.f32 v47, v9;
	[tilespmem:s25+$0xB0] =	vst v7;
	v6 =	vadd.s32 v56, v22;
	v58 =	vsel vm10, $0x1, v0;
	v57 =	vld.idx.msk [tilespmem:v2+s5+$0x0], $0xffff  }
0x35a: {  	[tilespmem:s25+$0xC0] =	vst v6;
	v59 =	vsel vm11, $0x1, v0;
	v4 =	vadd.s32 v58, v26;
	vm5 =	vlt.f32 v38, v28;
	v53 =	vld.idx.msk [tilespmem:v23+s5+$0x0], $0xffff  }
0x35b: {  	v60 =	vadd.s32 v59, v27;
	[tilespmem:s25+$0xD0] =	vst v4;
	vm6 =	vlt.f32 v40, v29;
	v48 =	vsel vm5, $0x1, v0;
	v55 =	vld.idx.msk [tilespmem:v3+s5+$0x0], $0xffff  }
0x35c: {  	[tilespmem:s25+$0xE0] =	vst v60;
	vm7 =	vlt.f32 v41, v31;
	v49 =	vsel vm6, $0x1, v0;
	v50 =	vadd.s32 v48, v15  }
0x35d: {  	v52 =	vsel vm7, $0x1, v0;
	v5 =	vadd.s32 v49, v12;
	[tilespmem:s29+$0x80] =	vst v50;
	vm12 =	vlt.f32 v51, v11  }
0x35e: {  	s22 =	sadd.s32 $0x1, s22;
	v8 =	vadd.s32 v52, v18;
	[tilespmem:s29+$0x90] =	vst v5;
	v61 =	vsel vm12, $0x1, v0;
	vm15 =	vlt.f32 v57, v1  }
0x35f: {  	p0 =	sne.s32 s22, $0x10;
	[tilespmem:s29+$0xA0] =	vst v8;
	vm13 =	vlt.f32 v53, v16;
	v4 =	vadd.s32 v61, v24;
	v63 =	vsel vm15, $0x1, v0  }
.Ltmp5:
0x360: {  	vm14 =	vlt.f32 v55, v17;
	v62 =	vsel vm13, $0x1, v0;
	[tilespmem:s29+$0xB0] =	vst v4;
	v2 =	vadd.s32 v63, v2;
	(pc) =	sbr.rel @p0 .LBB2_2-.Ltmp5, $4  }
0x361: {  	v1 =	vsel vm14, $0x1, v0;
	v5 =	vadd.s32 v62, v23;
	[tilespmem:s29+$0xE0] =	vst v2  }
0x362: {  	[tilespmem:s29+$0xC0] =	vst v5;
	v1 =	vadd.s32 v1, v3  }
0x363: {  	s0 =	sadd.s32 s4, s23;
	[tilespmem:s29+$0xD0] =	vst v1  }
0x364: {  	[hbm4b:s0+s11] =	stream.strided.scatter [tilespmem:s19], [sflag:$0x4], $0x4000, s12, s11, $0x38;
	[tilespmem:$0x10400] =	vst v63  }
0x365: {  	s21 =	sadd.s32 $0x1, s21  }
0x366: {  	_ =	swait.ge [sflag:s20], $0x4000;
	p0 =	sne.s32 s21, s9  }
.Ltmp6:
0x367: {  	[sflag:s20] =	ssyncset.done $0x0;
	(pc) =	sbr.rel @p0 .LBB2_1-.Ltmp6, $4  }
0x368: {  	[sflag:s20] =	ssyncadd.s32 $0xFFFFC000  }
0x369: {  	_ =	swait.ge [sflag:s18], $0x4000  }
0x36a: {  	[sflag:s18] =	ssyncset.done $0x0  }
0x36b: {  	[sflag:s18] =	ssyncadd.s32 $0xFFFFC000  }
0x36c: {  	_ =	sfence.sel $0x180000  }
0x36d: {  	[bflag:$0x0] =	sbarrier.arrive $0xFFFF  }
0x36e: {  	_ =	strace $0x90000047  }
0x36f: {  	[bflag:$0x2] =	sbarrier.arrive $0xFFFF  }
0x370: {  	p0 =	sne.s32 s1, $0x0;
	s0 =	rddreg [dreg:$0x3]  }
0x371: {  	s0 =	sadd.s32 @!p0 $0x100000, s0  }
0x372: {  	[sflag:s0] =	ssyncadd.tile.s32 @!p0 $0x1;
	_ =	shalt  }
.Lfunc_end2:
_tile_overlayer_lowered:
.L_overlay_start_2:
0x373: {  	(tag) =	ssettag $0x2  }
0x374: {  	s0 =	rddreg [dreg:$0x0];
	s2 =	stileid.u32  }
0x375: {  	s1 =	rddreg [dreg:$0x1];
	p0 =	sne.s32 s2, $0x0  }
0x376: {  	s3 =	rddreg [dreg:$0x2];
	[bflag:$0x3] =	sbarrier.arrive $0xFFFF;
	s2 =	simm.s32 @!p0 $0x1C06  }
0x377: {  	[timem:s3], [sflag:s2] =	dma.local @!p0 [hbm:s0], s1  }
0x378: {  	s0 =	simm.s32 @!p0 $0x6  }
0x379: {  	_ =	swait.ge @!p0 [sflag:s0], s1  }
0x37a: {  	s1 =	ssub.s32 @!p0 $0x0, s1;
	[sflag:s0] =	ssyncset.done @!p0 $0x0  }
0x37b: {  	[sflag:s0] =	ssyncadd.s32 @!p0 s1  }
0x37c: {  	[bflag:$0x3] =	sbarrier.arrive $0xFFFF  }
0x37d: {  	_ =	shalt  }

</sc_bundles>
